<compile_context>
chip_gen: v7x
topology: tpu7x:2x2x1
jax: 0.10.2.dev20260603
libtpu: 0.0.44.dev20260713+nightly
codegen_flags: <defaults>
</compile_context>

<pallas_src>
import functools
import jax
import jax.numpy as jnp
from jax import lax
from jax.experimental import pallas as pl
from jax.experimental.pallas import tpu as pltpu
from jax.experimental.pallas import tpu_sc as plsc

IGNORE = 255
H = W = 400
NPIX = H * W
K = NPIX // 4
CHUNK = NPIX // 4
NLANE = 16
INNER = CHUNK // NLANE
NB = 2048


def _loss_plane(pred_ref, tgt_ref, cw_ref, c):
    p0 = pred_ref[0, 0, 0]
    p1 = pred_ref[0, 0, 1]
    t = tgt_ref[0, 0]
    valid = t != IGNORE
    is1 = t == 1
    d = jnp.where(is1, p0 - p1, p1 - p0)
    sp = jnp.maximum(d, 0.0) + jnp.log(1.0 + jnp.exp(-jnp.abs(d)))
    w = jnp.where(is1, cw_ref[c, 1], cw_ref[c, 0])
    return jnp.where(valid, w * sp, 0.0)


def _ce_body(pred_ref, tgt_ref, cw_ref, bits_ref):
    loss = _loss_plane(pred_ref, tgt_ref, cw_ref, pl.program_id(0))
    bits_ref[0, 0] = lax.bitcast_convert_type(loss, jnp.int32)


def _ce2_body(pred_ref, tgt_ref, cw_ref, sums_ref):
    i = pl.program_id(0)
    loss = _loss_plane(pred_ref, tgt_ref, cw_ref, 2)
    sums_ref[0, i] = jnp.sum(loss)


_GDN = lax.GatherDimensionNumbers(
    offset_dims=(), collapsed_slice_dims=(0,), start_index_map=(0,))


def _lane_pick(x, lane):
    idx = jnp.full((NLANE,), lane, jnp.int32)
    return lax.gather(x, idx[:, None], _GDN, (1,),
                      mode=lax.GatherScatterMode.PROMISE_IN_BOUNDS)


def _bcast_total(x):
    return _lane_pick(plsc.cumsum(x), NLANE - 1)


def _suffix_incl(x):
    return lax.rev(plsc.cumsum(lax.rev(x, (0,))), (0,))


def _sc_body(bits_hbm, s_out, c_out, t_out, xc_cnt,
             vals, hcnt, pc, stage_i, stage_f):
    cid = lax.axis_index("c")
    sid = lax.axis_index("s")
    wid = cid * 16 + sid
    rbase = (sid // 4) * 4

    pltpu.sync_copy(bits_hbm.at[pl.ds(wid * CHUNK, CHUNK)], vals)

    lane = lax.iota(jnp.int32, NLANE)
    ones_i = jnp.full((NLANE,), 1, jnp.int32)
    zeros_i = jnp.zeros((NLANE,), jnp.int32)
    zeros_f = jnp.zeros((NLANE,), jnp.float32)

    def zero_hists(_j, _):
        hcnt[pl.ds(_j * NLANE, NLANE)] = zeros_i
        return 0

    def exchange_and_merge():
        pltpu.sync_copy(hcnt, xc_cnt.at[wid])
        plsc.subcore_barrier()
        pltpu.sync_copy(xc_cnt.at[pl.ds(cid * 16 + rbase, 4)], pc)
        plsc.subcore_barrier()

    def scan_hist(nb, k_cur):
        nbv = nb // NLANE

        def body(_j, carry):
            cum_c, b_acc, a_acc = carry
            jj = nbv - 1 - _j
            d = pl.ds(jj * NLANE, NLANE)
            c = pc[0, d] + pc[1, d] + pc[2, d] + pc[3, d]
            sc_ = _suffix_incl(c)
            incl = cum_c + sc_
            excl = incl - c
            ind = ((excl < k_cur) & (incl >= k_cur)).astype(jnp.int32)
            b_acc = b_acc + ind * (jj * NLANE + lane)
            a_acc = a_acc + ind * excl
            cum_c = cum_c + _lane_pick(sc_, 0)
            return cum_c, b_acc, a_acc

        _, b, a = lax.fori_loop(
            0, nbv, body, (zeros_i, zeros_i, zeros_i))
        return _bcast_total(b), _bcast_total(a)

    lax.fori_loop(0, NB // NLANE, zero_hists, 0, unroll=4)

    def scat1(_j, _):
        d = pl.ds(_j * NLANE, NLANE)
        v = vals[d]
        idx = v >> 20
        plsc.addupdate_scatter(hcnt, [idx], ones_i)
        return 0
    lax.fori_loop(0, INNER, scat1, 0, unroll=8)
    exchange_and_merge()
    k1 = jnp.full((NLANE,), K, jnp.int32)
    b1, a1 = scan_hist(NB, k1)
    k2 = k1 - a1

    lax.fori_loop(0, NB // NLANE, zero_hists, 0, unroll=4)

    def scat2(_j, _):
        d = pl.ds(_j * NLANE, NLANE)
        v = vals[d]
        m = (v >> 20) == b1
        idx = (v >> 9) & (NB - 1)
        plsc.addupdate_scatter(hcnt, [idx], ones_i, mask=m)
        return 0
    lax.fori_loop(0, INNER, scat2, 0, unroll=8)
    exchange_and_merge()
    b2, a2 = scan_hist(NB, k2)
    k3 = k2 - a2

    lax.fori_loop(0, NB // NLANE, zero_hists, 0, unroll=4)
    pref = b1 * 2048 + b2

    def scat3(_j, _):
        d = pl.ds(_j * NLANE, NLANE)
        v = vals[d]
        m = (v >> 9) == pref
        idx = v & 511
        plsc.addupdate_scatter(hcnt, [idx], ones_i, mask=m)
        return 0
    lax.fori_loop(0, INNER, scat3, 0, unroll=8)
    exchange_and_merge()
    b3, a3 = scan_hist(512, k3)
    k4 = k3 - a3

    thr = b1 * 1048576 + b2 * 512 + b3

    def fsum(_j, acc):
        v = vals[pl.ds(_j * NLANE, NLANE)]
        return acc + jnp.where(v > thr, plsc.bitcast(v, jnp.float32), 0.0)
    s_above = lax.fori_loop(0, INNER, fsum, zeros_f, unroll=8)

    stage_i[...] = thr
    pltpu.sync_copy(stage_i, t_out.at[wid])
    stage_i[...] = k4
    pltpu.sync_copy(stage_i, c_out.at[wid])
    stage_f[...] = s_above
    pltpu.sync_copy(stage_f, s_out.at[wid])


@jax.jit
def kernel(prediction, target, class_weights):
    b = prediction.shape[0]
    pred5 = prediction.reshape(b, 3, 2, H, W)
    bits = pl.pallas_call(
        _ce_body,
        grid=(2, b),
        in_specs=[
            pl.BlockSpec((1, 1, 2, H, W), lambda c, i: (i, c, 0, 0, 0)),
            pl.BlockSpec((1, 1, H, W), lambda c, i: (i, c, 0, 0)),
            pl.BlockSpec(memory_space=pltpu.SMEM),
        ],
        out_specs=pl.BlockSpec((1, 1, H, W), lambda c, i: (c, i, 0, 0)),
        out_shape=jax.ShapeDtypeStruct((2, b, H, W), jnp.int32),
    )(pred5, target, class_weights)

    mesh = plsc.VectorSubcoreMesh(core_axis_name="c", subcore_axis_name="s")
    sc = functools.partial(
        pl.kernel,
        out_type=[
            jax.ShapeDtypeStruct((32, NLANE), jnp.float32),
            jax.ShapeDtypeStruct((32, NLANE), jnp.int32),
            jax.ShapeDtypeStruct((32, NLANE), jnp.int32),
            jax.ShapeDtypeStruct((32, NB), jnp.int32),
        ],
        mesh=mesh,
        compiler_params=pltpu.CompilerParams(needs_layout_passes=False),
        scratch_types=[
            pltpu.VMEM((CHUNK,), jnp.int32),
            pltpu.VMEM((NB,), jnp.int32),
            pltpu.VMEM((4, NB), jnp.int32),
            pltpu.VMEM((NLANE,), jnp.int32),
            pltpu.VMEM((NLANE,), jnp.float32),
        ],
    )(_sc_body)
    s_part, k4_part, thr_part, _ = sc(bits.reshape(-1))

    sums2 = pl.pallas_call(
        _ce2_body,
        grid=(b,),
        in_specs=[
            pl.BlockSpec((1, 1, 2, H, W), lambda i: (i, 2, 0, 0, 0)),
            pl.BlockSpec((1, 1, H, W), lambda i: (i, 2, 0, 0)),
            pl.BlockSpec(memory_space=pltpu.SMEM),
        ],
        out_specs=pl.BlockSpec((1, b), lambda i: (0, 0),
                               memory_space=pltpu.SMEM),
        out_shape=jax.ShapeDtypeStruct((1, b), jnp.float32),
    )(pred5, target, class_weights)

    S = jnp.sum(s_part.reshape(8, 4, NLANE), axis=(1, 2))
    K4 = k4_part.reshape(8, 4, NLANE)[:, 0, 0].astype(jnp.float32)
    T = lax.bitcast_convert_type(thr_part.reshape(8, 4, NLANE)[:, 0, 0],
                                 jnp.float32)
    topk = (S + K4 * T).reshape(2, 4)
    total = (jnp.sum(topk[0]) / (b * K)
             + jnp.sum(topk[1]) / (b * K)
             + jnp.sum(sums2) / (b * NPIX))
    return total

# --- scband reference (transcript-rebuilt; emitter-appended) ---
"""Pipeline reference for scband-hdmap-loss-42898133353358 (READ-ONLY COPY).

The authoritative reference and input builder live on the scoring server;
editing this copy changes nothing except your own understanding.
"""

import jax, jax.numpy as jnp
import numpy as np

IGNORE_INDEX = 255
USE_TOP_K = [True, True, False]
TOP_K_RATIO = [0.25, 0.25, 1.0]
TRAINING_WEIGHTS = [1.0, 1.0, 1.0]
NUM_MAP_CLASSES = 3

def setup_inputs(seed: int = 0) -> dict:
    key = jax.random.key(seed)
    k1, k2 = jax.random.split(key, 2)
    prediction = jax.random.normal(k1, (4, 6, 400, 400), dtype=jnp.float32)
    target = jax.random.randint(k2, (4, 3, 400, 400), 0, 2).astype(jnp.int32)
    class_weights = jnp.array([[1.0, 2.0], [1.0, 2.0], [1.0, 2.0]], dtype=jnp.float32)
    return {"prediction": prediction, "target": target, "class_weights": class_weights}

def reference(prediction, target, class_weights):
    total = jnp.float32(0.0)
    for i in range(NUM_MAP_CLASSES):
        cur_target = target[:, i]                      # [B, H, W]
        b, h, w = cur_target.shape
        cur_pred = prediction[:, 2 * i:2 * (i + 1)]    # [B, 2, H, W]
        logp = jax.nn.log_softmax(cur_pred, axis=1)
        valid = cur_target != IGNORE_INDEX
        t_safe = jnp.where(valid, cur_target, 0)
        picked = jnp.take_along_axis(logp, t_safe[:, None, :, :], axis=1)[:, 0]
        w_c = class_weights[i][t_safe]
        cur_loss = -w_c * picked
        cur_loss = jnp.where(valid, cur_loss, 0.0)
        cur_loss = cur_loss.reshape(b, -1)
        if USE_TOP_K[i]:
            k = int(TOP_K_RATIO[i] * cur_loss.shape[1])
            cur_loss, _ = jax.lax.top_k(cur_loss, k)
        total = total + jnp.mean(cur_loss) * TRAINING_WEIGHTS[i]
    return total

if __name__ == "__main__":
    import jax
    _d = setup_inputs()
    print(jax.jit(kernel)(*tuple(_d.values())))

</pallas_src>

<mosaic_0001>
#map = affine_map<(d0, d1) -> (0)>
#map1 = affine_map<(d0, d1) -> (0, 0)>
module attributes {stable_mosaic.version = 14 : i64} {
  func.func @_sc_body(%arg0: i32, %arg1: i32, %arg2: memref<1280000xi32, #tpu.memory_space<hbm>>, %arg3: memref<32x16xf32, #tpu.memory_space<hbm>>, %arg4: memref<32x16xi32, #tpu.memory_space<hbm>>, %arg5: memref<32x16xi32, #tpu.memory_space<hbm>>, %arg6: memref<32x2048xi32, #tpu.memory_space<hbm>>, %arg7: memref<40000xi32, #tpu.memory_space<vmem>>, %arg8: memref<2048xi32, #tpu.memory_space<vmem>>, %arg9: memref<4x2048xi32, #tpu.memory_space<vmem>>, %arg10: memref<16xi32, #tpu.memory_space<vmem>>, %arg11: memref<16xf32, #tpu.memory_space<vmem>>) attributes {dimension_semantics = [#tpu.dimension_semantics<core_parallel>, #tpu.dimension_semantics<subcore_parallel>], iteration_bounds = array<i64: 2, 16>, scalar_prefetch = 0 : i64, scratch_operands = 5 : i64, tpu.core_type = #tpu.core_type<sc_vector_subcore>, window_params = [{transform_indices = #map}, {transform_indices = #map1}, {transform_indices = #map1}, {transform_indices = #map1}, {transform_indices = #map1}]} {
    %mul3A = arith.constant 16 : i32
    %mul3A_0 = arith.muli %arg0, %mul3A : i32
    %add3A = arith.addi %mul3A_0, %arg1 : i32
    %jit3A = arith.constant 4 : i32
    %div3A = arith.divsi %arg1, %jit3A : i32
    %sign3A = arith.constant 0 : i32
    %sign3A_1 = arith.cmpi sgt, %arg1, %sign3A : i32
    %sign3A_2 = arith.extui %sign3A_1 : i1 to i32
    %sign3A_3 = arith.constant 0 : i32
    %sign3A_4 = arith.cmpi slt, %arg1, %sign3A_3 : i32
    %sign3A_5 = arith.extui %sign3A_4 : i1 to i32
    %sign3A_6 = arith.subi %sign3A_2, %sign3A_5 : i32
    %sign3A_7 = arith.constant 0 : i32
    %sign3A_8 = arith.cmpi sgt, %jit3A, %sign3A_7 : i32
    %sign3A_9 = arith.extui %sign3A_8 : i1 to i32
    %sign3A_10 = arith.constant 0 : i32
    %sign3A_11 = arith.cmpi slt, %jit3A, %sign3A_10 : i32
    %sign3A_12 = arith.extui %sign3A_11 : i1 to i32
    %sign3A_13 = arith.subi %sign3A_9, %sign3A_12 : i32
    %ne3A = arith.cmpi ne, %sign3A_6, %sign3A_13 : i32
    %rem3A = arith.remsi %arg1, %jit3A : i32
    %ne3A_14 = arith.constant 0 : i32
    %ne3A_15 = arith.cmpi ne, %rem3A, %ne3A_14 : i32
    %and3A = arith.andi %ne3A, %ne3A_15 : i1
    %sub3A = arith.constant 1 : i32
    %sub3A_16 = arith.subi %div3A, %sub3A : i32
    %select_n3A = arith.select %and3A, %sub3A_16, %div3A : i32
    %mul3A_17 = arith.constant 4 : i32
    %mul3A_18 = arith.muli %select_n3A, %mul3A_17 : i32
    %mul3A_19 = arith.constant 40000 : i32
    %mul3A_20 = arith.muli %add3A, %mul3A_19 : i32
    "tpu.region"() ({
      %run_scoped3A = tpu.sem_alloc : memref<!tpu.dma_semaphore, #tpu.memory_space<semaphore_mem>>
      %dma_start3A = tpu.memref_slice %arg2[%mul3A_20] : memref<1280000xi32, #tpu.memory_space<hbm>> -> memref<40000xi32, #tpu.memory_space<hbm>>
      %dma_start3A_380 = tpu.memref_slice %arg2[%mul3A_20] : memref<1280000xi32, #tpu.memory_space<hbm>> -> memref<40000xi32, #tpu.memory_space<hbm>>
      tpu.enqueue_dma source(%dma_start3A_380 : memref<40000xi32, #tpu.memory_space<hbm>>) target(%arg7 : memref<40000xi32, #tpu.memory_space<vmem>>) target_semaphore(%run_scoped3A : memref<!tpu.dma_semaphore, #tpu.memory_space<semaphore_mem>>)
      %dma_wait3A = tpu.memref_slice %arg2[%mul3A_20] : memref<1280000xi32, #tpu.memory_space<hbm>> -> memref<40000xi32, #tpu.memory_space<hbm>>
      %dma_wait3A_381 = tpu.memref_slice %arg2[%mul3A_20] : memref<1280000xi32, #tpu.memory_space<hbm>> -> memref<40000xi32, #tpu.memory_space<hbm>>
      tpu.wait_dma2 semaphore(%run_scoped3A : memref<!tpu.dma_semaphore, #tpu.memory_space<semaphore_mem>>) src(%dma_wait3A_381 : memref<40000xi32, #tpu.memory_space<hbm>>) dst(%arg7 : memref<40000xi32, #tpu.memory_space<vmem>>)
      tpu.yield
    }) : () -> ()
    %iota3A = tpu.iota {dimensions = array<i32: 0>} : vector<16xi32>
    %broadcast_in_dim3A = arith.constant 1 : i32
    %broadcast_in_dim3A_21 = vector.broadcast %broadcast_in_dim3A : i32 to vector<16xi32>
    %broadcast_in_dim3A_22 = arith.constant 0 : i32
    %broadcast_in_dim3A_23 = vector.broadcast %broadcast_in_dim3A_22 : i32 to vector<16xi32>
    %broadcast_in_dim3A_24 = arith.constant 0.000000e+00 : f32
    %broadcast_in_dim3A_25 = vector.broadcast %broadcast_in_dim3A_24 : f32 to vector<16xf32>
    %scan3A = arith.constant 0 : i32
    %scan3A_26 = arith.constant 0 : i32
    %scan3A_27 = arith.constant 128 : i32
    %scan3A_28 = arith.addi %scan3A_26, %scan3A_27 : i32
    %scan3A_29 = arith.constant 4 : i32
    %scan3A_30 = scf.for %scan3A_380 = %scan3A_26 to %scan3A_28 step %scan3A_29 iter_args(%scan3A_381 = %scan3A) -> (i32)  : i32 {
      %mul3A_382 = arith.constant 16 : i32
      %mul3A_383 = arith.muli %scan3A_380, %mul3A_382 : i32
      %swap3A_384 = arith.index_cast %mul3A_383 : i32 to index
      %swap3A_385 = tpu.vector_load %arg8[%swap3A_384] {strides = array<i32>} : memref<2048xi32, #tpu.memory_space<vmem>>, vector<16xi32>,
      tpu.vector_store %arg8[%swap3A_384], %broadcast_in_dim3A_23 {strides = array<i32>} : memref<2048xi32, #tpu.memory_space<vmem>>, vector<16xi32>,
      %scan3A_386 = arith.constant 0 : i32
      %scan3A_387 = arith.constant 1 : i32
      %scan3A_388 = arith.addi %scan3A_380, %scan3A_387 : i32
      %mul3A_389 = arith.constant 16 : i32
      %mul3A_390 = arith.muli %scan3A_388, %mul3A_389 : i32
      %swap3A_391 = arith.index_cast %mul3A_390 : i32 to index
      %swap3A_392 = tpu.vector_load %arg8[%swap3A_391] {strides = array<i32>} : memref<2048xi32, #tpu.memory_space<vmem>>, vector<16xi32>,
      tpu.vector_store %arg8[%swap3A_391], %broadcast_in_dim3A_23 {strides = array<i32>} : memref<2048xi32, #tpu.memory_space<vmem>>, vector<16xi32>,
      %scan3A_393 = arith.constant 0 : i32
      %scan3A_394 = arith.constant 2 : i32
      %scan3A_395 = arith.addi %scan3A_380, %scan3A_394 : i32
      %mul3A_396 = arith.constant 16 : i32
      %mul3A_397 = arith.muli %scan3A_395, %mul3A_396 : i32
      %swap3A_398 = arith.index_cast %mul3A_397 : i32 to index
      %swap3A_399 = tpu.vector_load %arg8[%swap3A_398] {strides = array<i32>} : memref<2048xi32, #tpu.memory_space<vmem>>, vector<16xi32>,
      tpu.vector_store %arg8[%swap3A_398], %broadcast_in_dim3A_23 {strides = array<i32>} : memref<2048xi32, #tpu.memory_space<vmem>>, vector<16xi32>,
      %scan3A_400 = arith.constant 0 : i32
      %scan3A_401 = arith.constant 3 : i32
      %scan3A_402 = arith.addi %scan3A_380, %scan3A_401 : i32
      %mul3A_403 = arith.constant 16 : i32
      %mul3A_404 = arith.muli %scan3A_402, %mul3A_403 : i32
      %swap3A_405 = arith.index_cast %mul3A_404 : i32 to index
      %swap3A_406 = tpu.vector_load %arg8[%swap3A_405] {strides = array<i32>} : memref<2048xi32, #tpu.memory_space<vmem>>, vector<16xi32>,
      tpu.vector_store %arg8[%swap3A_405], %broadcast_in_dim3A_23 {strides = array<i32>} : memref<2048xi32, #tpu.memory_space<vmem>>, vector<16xi32>,
      %scan3A_407 = arith.constant 0 : i32
      scf.yield %scan3A_407 : i32
    }
    %scan3A_31 = arith.constant 128 : i32
    %scan3A_32 = arith.constant 0 : i32
    %scan3A_33 = arith.constant 0 : i32
    %scan3A_34 = arith.constant 2496 : i32
    %scan3A_35 = arith.addi %scan3A_33, %scan3A_34 : i32
    %scan3A_36 = arith.constant 8 : i32
    %scan3A_37 = scf.for %scan3A_380 = %scan3A_33 to %scan3A_35 step %scan3A_36 iter_args(%scan3A_381 = %scan3A_32) -> (i32)  : i32 {
      %mul3A_382 = arith.constant 16 : i32
      %mul3A_383 = arith.muli %scan3A_380, %mul3A_382 : i32
      %get3A_384 = arith.index_cast %mul3A_383 : i32 to index
      %get3A_385 = tpu.vector_load %arg7[%get3A_384] {strides = array<i32>} : memref<40000xi32, #tpu.memory_space<vmem>>, vector<16xi32>,
      %shift_right_arithmetic3A_386 = arith.constant 20 : i32
      %shift_right_arithmetic3A_387 = vector.broadcast %shift_right_arithmetic3A_386 : i32 to vector<16xi32>
      %shift_right_arithmetic3A_388 = arith.shrsi %get3A_385, %shift_right_arithmetic3A_387 : vector<16xi32>
      tpu.vector_store_idx %arg8[%shift_right_arithmetic3A_388], %broadcast_in_dim3A_21 {add = true} : memref<2048xi32, #tpu.memory_space<vmem>>[vector<16xi32>], vector<16xi32>,
      %scan3A_389 = arith.constant 0 : i32
      %scan3A_390 = arith.constant 1 : i32
      %scan3A_391 = arith.addi %scan3A_380, %scan3A_390 : i32
      %mul3A_392 = arith.constant 16 : i32
      %mul3A_393 = arith.muli %scan3A_391, %mul3A_392 : i32
      %get3A_394 = arith.index_cast %mul3A_393 : i32 to index
      %get3A_395 = tpu.vector_load %arg7[%get3A_394] {strides = array<i32>} : memref<40000xi32, #tpu.memory_space<vmem>>, vector<16xi32>,
      %shift_right_arithmetic3A_396 = arith.constant 20 : i32
      %shift_right_arithmetic3A_397 = vector.broadcast %shift_right_arithmetic3A_396 : i32 to vector<16xi32>
      %shift_right_arithmetic3A_398 = arith.shrsi %get3A_395, %shift_right_arithmetic3A_397 : vector<16xi32>
      tpu.vector_store_idx %arg8[%shift_right_arithmetic3A_398], %broadcast_in_dim3A_21 {add = true} : memref<2048xi32, #tpu.memory_space<vmem>>[vector<16xi32>], vector<16xi32>,
      %scan3A_399 = arith.constant 0 : i32
      %scan3A_400 = arith.constant 2 : i32
      %scan3A_401 = arith.addi %scan3A_380, %scan3A_400 : i32
      %mul3A_402 = arith.constant 16 : i32
      %mul3A_403 = arith.muli %scan3A_401, %mul3A_402 : i32
      %get3A_404 = arith.index_cast %mul3A_403 : i32 to index
      %get3A_405 = tpu.vector_load %arg7[%get3A_404] {strides = array<i32>} : memref<40000xi32, #tpu.memory_space<vmem>>, vector<16xi32>,
      %shift_right_arithmetic3A_406 = arith.constant 20 : i32
      %shift_right_arithmetic3A_407 = vector.broadcast %shift_right_arithmetic3A_406 : i32 to vector<16xi32>
      %shift_right_arithmetic3A_408 = arith.shrsi %get3A_405, %shift_right_arithmetic3A_407 : vector<16xi32>
      tpu.vector_store_idx %arg8[%shift_right_arithmetic3A_408], %broadcast_in_dim3A_21 {add = true} : memref<2048xi32, #tpu.memory_space<vmem>>[vector<16xi32>], vector<16xi32>,
      %scan3A_409 = arith.constant 0 : i32
      %scan3A_410 = arith.constant 3 : i32
      %scan3A_411 = arith.addi %scan3A_380, %scan3A_410 : i32
      %mul3A_412 = arith.constant 16 : i32
      %mul3A_413 = arith.muli %scan3A_411, %mul3A_412 : i32
      %get3A_414 = arith.index_cast %mul3A_413 : i32 to index
      %get3A_415 = tpu.vector_load %arg7[%get3A_414] {strides = array<i32>} : memref<40000xi32, #tpu.memory_space<vmem>>, vector<16xi32>,
      %shift_right_arithmetic3A_416 = arith.constant 20 : i32
      %shift_right_arithmetic3A_417 = vector.broadcast %shift_right_arithmetic3A_416 : i32 to vector<16xi32>
      %shift_right_arithmetic3A_418 = arith.shrsi %get3A_415, %shift_right_arithmetic3A_417 : vector<16xi32>
      tpu.vector_store_idx %arg8[%shift_right_arithmetic3A_418], %broadcast_in_dim3A_21 {add = true} : memref<2048xi32, #tpu.memory_space<vmem>>[vector<16xi32>], vector<16xi32>,
      %scan3A_419 = arith.constant 0 : i32
      %scan3A_420 = arith.constant 4 : i32
      %scan3A_421 = arith.addi %scan3A_380, %scan3A_420 : i32
      %mul3A_422 = arith.constant 16 : i32
      %mul3A_423 = arith.muli %scan3A_421, %mul3A_422 : i32
      %get3A_424 = arith.index_cast %mul3A_423 : i32 to index
      %get3A_425 = tpu.vector_load %arg7[%get3A_424] {strides = array<i32>} : memref<40000xi32, #tpu.memory_space<vmem>>, vector<16xi32>,
      %shift_right_arithmetic3A_426 = arith.constant 20 : i32
      %shift_right_arithmetic3A_427 = vector.broadcast %shift_right_arithmetic3A_426 : i32 to vector<16xi32>
      %shift_right_arithmetic3A_428 = arith.shrsi %get3A_425, %shift_right_arithmetic3A_427 : vector<16xi32>
      tpu.vector_store_idx %arg8[%shift_right_arithmetic3A_428], %broadcast_in_dim3A_21 {add = true} : memref<2048xi32, #tpu.memory_space<vmem>>[vector<16xi32>], vector<16xi32>,
      %scan3A_429 = arith.constant 0 : i32
      %scan3A_430 = arith.constant 5 : i32
      %scan3A_431 = arith.addi %scan3A_380, %scan3A_430 : i32
      %mul3A_432 = arith.constant 16 : i32
      %mul3A_433 = arith.muli %scan3A_431, %mul3A_432 : i32
      %get3A_434 = arith.index_cast %mul3A_433 : i32 to index
      %get3A_435 = tpu.vector_load %arg7[%get3A_434] {strides = array<i32>} : memref<40000xi32, #tpu.memory_space<vmem>>, vector<16xi32>,
      %shift_right_arithmetic3A_436 = arith.constant 20 : i32
      %shift_right_arithmetic3A_437 = vector.broadcast %shift_right_arithmetic3A_436 : i32 to vector<16xi32>
      %shift_right_arithmetic3A_438 = arith.shrsi %get3A_435, %shift_right_arithmetic3A_437 : vector<16xi32>
      tpu.vector_store_idx %arg8[%shift_right_arithmetic3A_438], %broadcast_in_dim3A_21 {add = true} : memref<2048xi32, #tpu.memory_space<vmem>>[vector<16xi32>], vector<16xi32>,
      %scan3A_439 = arith.constant 0 : i32
      %scan3A_440 = arith.constant 6 : i32
      %scan3A_441 = arith.addi %scan3A_380, %scan3A_440 : i32
      %mul3A_442 = arith.constant 16 : i32
      %mul3A_443 = arith.muli %scan3A_441, %mul3A_442 : i32
      %get3A_444 = arith.index_cast %mul3A_443 : i32 to index
      %get3A_445 = tpu.vector_load %arg7[%get3A_444] {strides = array<i32>} : memref<40000xi32, #tpu.memory_space<vmem>>, vector<16xi32>,
      %shift_right_arithmetic3A_446 = arith.constant 20 : i32
      %shift_right_arithmetic3A_447 = vector.broadcast %shift_right_arithmetic3A_446 : i32 to vector<16xi32>
      %shift_right_arithmetic3A_448 = arith.shrsi %get3A_445, %shift_right_arithmetic3A_447 : vector<16xi32>
      tpu.vector_store_idx %arg8[%shift_right_arithmetic3A_448], %broadcast_in_dim3A_21 {add = true} : memref<2048xi32, #tpu.memory_space<vmem>>[vector<16xi32>], vector<16xi32>,
      %scan3A_449 = arith.constant 0 : i32
      %scan3A_450 = arith.constant 7 : i32
      %scan3A_451 = arith.addi %scan3A_380, %scan3A_450 : i32
      %mul3A_452 = arith.constant 16 : i32
      %mul3A_453 = arith.muli %scan3A_451, %mul3A_452 : i32
      %get3A_454 = arith.index_cast %mul3A_453 : i32 to index
      %get3A_455 = tpu.vector_load %arg7[%get3A_454] {strides = array<i32>} : memref<40000xi32, #tpu.memory_space<vmem>>, vector<16xi32>,
      %shift_right_arithmetic3A_456 = arith.constant 20 : i32
      %shift_right_arithmetic3A_457 = vector.broadcast %shift_right_arithmetic3A_456 : i32 to vector<16xi32>
      %shift_right_arithmetic3A_458 = arith.shrsi %get3A_455, %shift_right_arithmetic3A_457 : vector<16xi32>
      tpu.vector_store_idx %arg8[%shift_right_arithmetic3A_458], %broadcast_in_dim3A_21 {add = true} : memref<2048xi32, #tpu.memory_space<vmem>>[vector<16xi32>], vector<16xi32>,
      %scan3A_459 = arith.constant 0 : i32
      scf.yield %scan3A_459 : i32
    }
    %scan3A_38 = arith.constant 2496 : i32
    %scan3A_39 = arith.addi %scan3A_33, %scan3A_38 : i32
    %mul3A_40 = arith.constant 16 : i32
    %mul3A_41 = arith.muli %scan3A_39, %mul3A_40 : i32
    %get3A = arith.index_cast %mul3A_41 : i32 to index
    %get3A_42 = tpu.vector_load %arg7[%get3A] {strides = array<i32>} : memref<40000xi32, #tpu.memory_space<vmem>>, vector<16xi32>,
    %shift_right_arithmetic3A = arith.constant 20 : i32
    %shift_right_arithmetic3A_43 = vector.broadcast %shift_right_arithmetic3A : i32 to vector<16xi32>
    %shift_right_arithmetic3A_44 = arith.shrsi %get3A_42, %shift_right_arithmetic3A_43 : vector<16xi32>
    tpu.vector_store_idx %arg8[%shift_right_arithmetic3A_44], %broadcast_in_dim3A_21 {add = true} : memref<2048xi32, #tpu.memory_space<vmem>>[vector<16xi32>], vector<16xi32>,
    %scan3A_45 = arith.constant 0 : i32
    %scan3A_46 = arith.constant 2497 : i32
    %scan3A_47 = arith.addi %scan3A_33, %scan3A_46 : i32
    %mul3A_48 = arith.constant 16 : i32
    %mul3A_49 = arith.muli %scan3A_47, %mul3A_48 : i32
    %get3A_50 = arith.index_cast %mul3A_49 : i32 to index
    %get3A_51 = tpu.vector_load %arg7[%get3A_50] {strides = array<i32>} : memref<40000xi32, #tpu.memory_space<vmem>>, vector<16xi32>,
    %shift_right_arithmetic3A_52 = arith.constant 20 : i32
    %shift_right_arithmetic3A_53 = vector.broadcast %shift_right_arithmetic3A_52 : i32 to vector<16xi32>
    %shift_right_arithmetic3A_54 = arith.shrsi %get3A_51, %shift_right_arithmetic3A_53 : vector<16xi32>
    tpu.vector_store_idx %arg8[%shift_right_arithmetic3A_54], %broadcast_in_dim3A_21 {add = true} : memref<2048xi32, #tpu.memory_space<vmem>>[vector<16xi32>], vector<16xi32>,
    %scan3A_55 = arith.constant 0 : i32
    %scan3A_56 = arith.constant 2498 : i32
    %scan3A_57 = arith.addi %scan3A_33, %scan3A_56 : i32
    %mul3A_58 = arith.constant 16 : i32
    %mul3A_59 = arith.muli %scan3A_57, %mul3A_58 : i32
    %get3A_60 = arith.index_cast %mul3A_59 : i32 to index
    %get3A_61 = tpu.vector_load %arg7[%get3A_60] {strides = array<i32>} : memref<40000xi32, #tpu.memory_space<vmem>>, vector<16xi32>,
    %shift_right_arithmetic3A_62 = arith.constant 20 : i32
    %shift_right_arithmetic3A_63 = vector.broadcast %shift_right_arithmetic3A_62 : i32 to vector<16xi32>
    %shift_right_arithmetic3A_64 = arith.shrsi %get3A_61, %shift_right_arithmetic3A_63 : vector<16xi32>
    tpu.vector_store_idx %arg8[%shift_right_arithmetic3A_64], %broadcast_in_dim3A_21 {add = true} : memref<2048xi32, #tpu.memory_space<vmem>>[vector<16xi32>], vector<16xi32>,
    %scan3A_65 = arith.constant 0 : i32
    %scan3A_66 = arith.constant 2499 : i32
    %scan3A_67 = arith.addi %scan3A_33, %scan3A_66 : i32
    %mul3A_68 = arith.constant 16 : i32
    %mul3A_69 = arith.muli %scan3A_67, %mul3A_68 : i32
    %get3A_70 = arith.index_cast %mul3A_69 : i32 to index
    %get3A_71 = tpu.vector_load %arg7[%get3A_70] {strides = array<i32>} : memref<40000xi32, #tpu.memory_space<vmem>>, vector<16xi32>,
    %shift_right_arithmetic3A_72 = arith.constant 20 : i32
    %shift_right_arithmetic3A_73 = vector.broadcast %shift_right_arithmetic3A_72 : i32 to vector<16xi32>
    %shift_right_arithmetic3A_74 = arith.shrsi %get3A_71, %shift_right_arithmetic3A_73 : vector<16xi32>
    tpu.vector_store_idx %arg8[%shift_right_arithmetic3A_74], %broadcast_in_dim3A_21 {add = true} : memref<2048xi32, #tpu.memory_space<vmem>>[vector<16xi32>], vector<16xi32>,
    %scan3A_75 = arith.constant 0 : i32
    %scan3A_76 = arith.constant 2500 : i32
    "tpu.region"() ({
      %run_scoped3A = tpu.sem_alloc : memref<!tpu.dma_semaphore, #tpu.memory_space<semaphore_mem>>
      %dma_start3A = arith.constant 0 : i32
      %dma_start3A_380 = tpu.memref_slice %arg6[%add3A, %dma_start3A] : memref<32x2048xi32, #tpu.memory_space<hbm>> -> memref<1x2048xi32, #tpu.memory_space<hbm>>
      %dma_start3A_381 = tpu.memref_squeeze %dma_start3A_380 : memref<1x2048xi32, #tpu.memory_space<hbm>> -> memref<2048xi32, #tpu.memory_space<hbm>>
      %dma_start3A_382 = arith.constant 0 : i32
      %dma_start3A_383 = tpu.memref_slice %arg6[%add3A, %dma_start3A_382] : memref<32x2048xi32, #tpu.memory_space<hbm>> -> memref<1x2048xi32, #tpu.memory_space<hbm>>
      %dma_start3A_384 = tpu.memref_squeeze %dma_start3A_383 : memref<1x2048xi32, #tpu.memory_space<hbm>> -> memref<2048xi32, #tpu.memory_space<hbm>>
      tpu.enqueue_dma source(%arg8 : memref<2048xi32, #tpu.memory_space<vmem>>) target(%dma_start3A_384 : memref<2048xi32, #tpu.memory_space<hbm>>) target_semaphore(%run_scoped3A : memref<!tpu.dma_semaphore, #tpu.memory_space<semaphore_mem>>)
      %dma_wait3A = arith.constant 0 : i32
      %dma_wait3A_385 = tpu.memref_slice %arg6[%add3A, %dma_wait3A] : memref<32x2048xi32, #tpu.memory_space<hbm>> -> memref<1x2048xi32, #tpu.memory_space<hbm>>
      %dma_wait3A_386 = tpu.memref_squeeze %dma_wait3A_385 : memref<1x2048xi32, #tpu.memory_space<hbm>> -> memref<2048xi32, #tpu.memory_space<hbm>>
      %dma_wait3A_387 = arith.constant 0 : i32
      %dma_wait3A_388 = tpu.memref_slice %arg6[%add3A, %dma_wait3A_387] : memref<32x2048xi32, #tpu.memory_space<hbm>> -> memref<1x2048xi32, #tpu.memory_space<hbm>>
      %dma_wait3A_389 = tpu.memref_squeeze %dma_wait3A_388 : memref<1x2048xi32, #tpu.memory_space<hbm>> -> memref<2048xi32, #tpu.memory_space<hbm>>
      tpu.wait_dma2 semaphore(%run_scoped3A : memref<!tpu.dma_semaphore, #tpu.memory_space<semaphore_mem>>) src(%arg8 : memref<2048xi32, #tpu.memory_space<vmem>>) dst(%dma_wait3A_389 : memref<2048xi32, #tpu.memory_space<hbm>>)
      tpu.yield
    }) : () -> ()
    %barrier3A = arith.constant 0 : index
    tpu.barrier barrier_id(%barrier3A)
    %mul3A_77 = arith.constant 16 : i32
    %mul3A_78 = arith.muli %arg0, %mul3A_77 : i32
    %add3A_79 = arith.addi %mul3A_78, %mul3A_18 : i32
    "tpu.region"() ({
      %run_scoped3A = tpu.sem_alloc : memref<!tpu.dma_semaphore, #tpu.memory_space<semaphore_mem>>
      %dma_start3A = arith.constant 0 : i32
      %dma_start3A_380 = tpu.memref_slice %arg6[%add3A_79, %dma_start3A] : memref<32x2048xi32, #tpu.memory_space<hbm>> -> memref<4x2048xi32, #tpu.memory_space<hbm>>
      %dma_start3A_381 = arith.constant 0 : i32
      %dma_start3A_382 = tpu.memref_slice %arg6[%add3A_79, %dma_start3A_381] : memref<32x2048xi32, #tpu.memory_space<hbm>> -> memref<4x2048xi32, #tpu.memory_space<hbm>>
      tpu.enqueue_dma source(%dma_start3A_382 : memref<4x2048xi32, #tpu.memory_space<hbm>>) target(%arg9 : memref<4x2048xi32, #tpu.memory_space<vmem>>) target_semaphore(%run_scoped3A : memref<!tpu.dma_semaphore, #tpu.memory_space<semaphore_mem>>)
      %dma_wait3A = arith.constant 0 : i32
      %dma_wait3A_383 = tpu.memref_slice %arg6[%add3A_79, %dma_wait3A] : memref<32x2048xi32, #tpu.memory_space<hbm>> -> memref<4x2048xi32, #tpu.memory_space<hbm>>
      %dma_wait3A_384 = arith.constant 0 : i32
      %dma_wait3A_385 = tpu.memref_slice %arg6[%add3A_79, %dma_wait3A_384] : memref<32x2048xi32, #tpu.memory_space<hbm>> -> memref<4x2048xi32, #tpu.memory_space<hbm>>
      tpu.wait_dma2 semaphore(%run_scoped3A : memref<!tpu.dma_semaphore, #tpu.memory_space<semaphore_mem>>) src(%dma_wait3A_385 : memref<4x2048xi32, #tpu.memory_space<hbm>>) dst(%arg9 : memref<4x2048xi32, #tpu.memory_space<vmem>>)
      tpu.yield
    }) : () -> ()
    %barrier3A_80 = arith.constant 0 : index
    tpu.barrier barrier_id(%barrier3A_80)
    %broadcast_in_dim3A_81 = arith.constant 40000 : i32
    %broadcast_in_dim3A_82 = vector.broadcast %broadcast_in_dim3A_81 : i32 to vector<16xi32>
    %scan3A_83 = arith.constant 0 : i32
    %scan3A_84 = arith.constant 128 : i32
    %scan3A_85 = arith.addi %scan3A_83, %scan3A_84 : i32
    %scan3A_86 = arith.constant 1 : i32
    %scan3A_87:3 = scf.for %scan3A_380 = %scan3A_83 to %scan3A_85 step %scan3A_86 iter_args(%scan3A_381 = %broadcast_in_dim3A_23, %scan3A_382 = %broadcast_in_dim3A_23, %scan3A_383 = %broadcast_in_dim3A_23) -> (vector<16xi32>, vector<16xi32>, vector<16xi32>)  : i32 {
      %sub3A_384 = arith.constant 127 : i32
      %sub3A_385 = arith.subi %sub3A_384, %scan3A_380 : i32
      %mul3A_386 = arith.constant 16 : i32
      %mul3A_387 = arith.muli %sub3A_385, %mul3A_386 : i32
      %get3A_388 = arith.constant 0 : i32
      %get3A_389 = arith.index_cast %get3A_388 : i32 to index
      %get3A_390 = arith.index_cast %mul3A_387 : i32 to index
      %get3A_391 = tpu.vector_load %arg9[%get3A_389, %get3A_390] {strides = array<i32>} : memref<4x2048xi32, #tpu.memory_space<vmem>>, vector<16xi32>,
      %get3A_392 = arith.constant 1 : i32
      %get3A_393 = arith.index_cast %get3A_392 : i32 to index
      %get3A_394 = arith.index_cast %mul3A_387 : i32 to index
      %get3A_395 = tpu.vector_load %arg9[%get3A_393, %get3A_394] {strides = array<i32>} : memref<4x2048xi32, #tpu.memory_space<vmem>>, vector<16xi32>,
      %add3A_396 = arith.addi %get3A_391, %get3A_395 : vector<16xi32>
      %get3A_397 = arith.constant 2 : i32
      %get3A_398 = arith.index_cast %get3A_397 : i32 to index
      %get3A_399 = arith.index_cast %mul3A_387 : i32 to index
      %get3A_400 = tpu.vector_load %arg9[%get3A_398, %get3A_399] {strides = array<i32>} : memref<4x2048xi32, #tpu.memory_space<vmem>>, vector<16xi32>,
      %add3A_401 = arith.addi %add3A_396, %get3A_400 : vector<16xi32>
      %get3A_402 = arith.constant 3 : i32
      %get3A_403 = arith.index_cast %get3A_402 : i32 to index
      %get3A_404 = arith.index_cast %mul3A_387 : i32 to index
      %get3A_405 = tpu.vector_load %arg9[%get3A_403, %get3A_404] {strides = array<i32>} : memref<4x2048xi32, #tpu.memory_space<vmem>>, vector<16xi32>,
      %add3A_406 = arith.addi %add3A_401, %get3A_405 : vector<16xi32>
      %rev3A = arith.constant 15 : i32
      %rev3A_407 = vector.broadcast %rev3A : i32 to vector<16xi32>
      %rev3A_408 = tpu.iota {dimensions = array<i32: 0>} : vector<16xi32>
      %rev3A_409 = arith.subi %rev3A_407, %rev3A_408 : vector<16xi32>
      %rev3A_410 = tpu.dynamic_gather %add3A_406[%rev3A_409] in [0] : vector<16xi32>, vector<16xi32> -> vector<16xi32>
      %broadcast_in_dim3A_411 = arith.constant true
      %broadcast_in_dim3A_412 = vector.broadcast %broadcast_in_dim3A_411 : i1 to vector<16xi1>
      %masked_cumsum3A_413 = tpu.scan <sum>, %rev3A_410 masked %broadcast_in_dim3A_412 : vector<16xi32>, vector<16xi1> -> vector<16xi32>
      %rev3A_414 = arith.constant 15 : i32
      %rev3A_415 = vector.broadcast %rev3A_414 : i32 to vector<16xi32>
      %rev3A_416 = tpu.iota {dimensions = array<i32: 0>} : vector<16xi32>
      %rev3A_417 = arith.subi %rev3A_415, %rev3A_416 : vector<16xi32>
      %rev3A_418 = tpu.dynamic_gather %masked_cumsum3A_413[%rev3A_417] in [0] : vector<16xi32>, vector<16xi32> -> vector<16xi32>
      %add3A_419 = arith.addi %scan3A_381, %rev3A_418 : vector<16xi32>
      %sub3A_420 = arith.subi %add3A_419, %add3A_406 : vector<16xi32>
      %lt3A = arith.cmpi slt, %sub3A_420, %broadcast_in_dim3A_82 : vector<16xi32>
      %ge3A = arith.cmpi sge, %add3A_419, %broadcast_in_dim3A_82 : vector<16xi32>
      %and3A_421 = arith.andi %lt3A, %ge3A : vector<16xi1>
      %convert_element_type3A = arith.extui %and3A_421 : vector<16xi1> to vector<16xi32>
      %mul3A_422 = arith.constant 16 : i32
      %mul3A_423 = arith.muli %sub3A_385, %mul3A_422 : i32
      %add3A_424 = vector.broadcast %mul3A_423 : i32 to vector<16xi32>
      %add3A_425 = arith.addi %add3A_424, %iota3A : vector<16xi32>
      %mul3A_426 = arith.muli %convert_element_type3A, %add3A_425 : vector<16xi32>
      %add3A_427 = arith.addi %scan3A_382, %mul3A_426 : vector<16xi32>
      %mul3A_428 = arith.muli %convert_element_type3A, %sub3A_420 : vector<16xi32>
      %add3A_429 = arith.addi %scan3A_383, %mul3A_428 : vector<16xi32>
      %broadcast_in_dim3A_430 = arith.constant 0 : i32
      %broadcast_in_dim3A_431 = vector.broadcast %broadcast_in_dim3A_430 : i32 to vector<16xi32>
      %broadcast_in_dim3A_432 = vector.shape_cast %broadcast_in_dim3A_431 : vector<16xi32> to vector<16x1xi32>
      %gather3A_433 = vector.shape_cast %broadcast_in_dim3A_432 : vector<16x1xi32> to vector<16xi32>
      %gather3A_434 = tpu.dynamic_gather %rev3A_418[%gather3A_433] in [0] : vector<16xi32>, vector<16xi32> -> vector<16xi32>
      %add3A_435 = arith.addi %scan3A_381, %gather3A_434 : vector<16xi32>
      scf.yield %add3A_435, %add3A_427, %add3A_429 : vector<16xi32>, vector<16xi32>, vector<16xi32>
    }
    %scan3A_88 = arith.constant 128 : i32
    %broadcast_in_dim3A_89 = arith.constant true
    %broadcast_in_dim3A_90 = vector.broadcast %broadcast_in_dim3A_89 : i1 to vector<16xi1>
    %masked_cumsum3A = tpu.scan <sum>, %scan3A_87#1 masked %broadcast_in_dim3A_90 : vector<16xi32>, vector<16xi1> -> vector<16xi32>
    %broadcast_in_dim3A_91 = arith.constant 15 : i32
    %broadcast_in_dim3A_92 = vector.broadcast %broadcast_in_dim3A_91 : i32 to vector<16xi32>
    %broadcast_in_dim3A_93 = vector.shape_cast %broadcast_in_dim3A_92 : vector<16xi32> to vector<16x1xi32>
    %gather3A = vector.shape_cast %broadcast_in_dim3A_93 : vector<16x1xi32> to vector<16xi32>
    %gather3A_94 = tpu.dynamic_gather %masked_cumsum3A[%gather3A] in [0] : vector<16xi32>, vector<16xi32> -> vector<16xi32>
    %broadcast_in_dim3A_95 = arith.constant true
    %broadcast_in_dim3A_96 = vector.broadcast %broadcast_in_dim3A_95 : i1 to vector<16xi1>
    %masked_cumsum3A_97 = tpu.scan <sum>, %scan3A_87#2 masked %broadcast_in_dim3A_96 : vector<16xi32>, vector<16xi1> -> vector<16xi32>
    %broadcast_in_dim3A_98 = arith.constant 15 : i32
    %broadcast_in_dim3A_99 = vector.broadcast %broadcast_in_dim3A_98 : i32 to vector<16xi32>
    %broadcast_in_dim3A_100 = vector.shape_cast %broadcast_in_dim3A_99 : vector<16xi32> to vector<16x1xi32>
    %gather3A_101 = vector.shape_cast %broadcast_in_dim3A_100 : vector<16x1xi32> to vector<16xi32>
    %gather3A_102 = tpu.dynamic_gather %masked_cumsum3A_97[%gather3A_101] in [0] : vector<16xi32>, vector<16xi32> -> vector<16xi32>
    %sub3A_103 = arith.subi %broadcast_in_dim3A_82, %gather3A_102 : vector<16xi32>
    %scan3A_104 = arith.constant 0 : i32
    %scan3A_105 = arith.constant 0 : i32
    %scan3A_106 = arith.constant 128 : i32
    %scan3A_107 = arith.addi %scan3A_105, %scan3A_106 : i32
    %scan3A_108 = arith.constant 4 : i32
    %scan3A_109 = scf.for %scan3A_380 = %scan3A_105 to %scan3A_107 step %scan3A_108 iter_args(%scan3A_381 = %scan3A_104) -> (i32)  : i32 {
      %mul3A_382 = arith.constant 16 : i32
      %mul3A_383 = arith.muli %scan3A_380, %mul3A_382 : i32
      %swap3A_384 = arith.index_cast %mul3A_383 : i32 to index
      %swap3A_385 = tpu.vector_load %arg8[%swap3A_384] {strides = array<i32>} : memref<2048xi32, #tpu.memory_space<vmem>>, vector<16xi32>,
      tpu.vector_store %arg8[%swap3A_384], %broadcast_in_dim3A_23 {strides = array<i32>} : memref<2048xi32, #tpu.memory_space<vmem>>, vector<16xi32>,
      %scan3A_386 = arith.constant 0 : i32
      %scan3A_387 = arith.constant 1 : i32
      %scan3A_388 = arith.addi %scan3A_380, %scan3A_387 : i32
      %mul3A_389 = arith.constant 16 : i32
      %mul3A_390 = arith.muli %scan3A_388, %mul3A_389 : i32
      %swap3A_391 = arith.index_cast %mul3A_390 : i32 to index
      %swap3A_392 = tpu.vector_load %arg8[%swap3A_391] {strides = array<i32>} : memref<2048xi32, #tpu.memory_space<vmem>>, vector<16xi32>,
      tpu.vector_store %arg8[%swap3A_391], %broadcast_in_dim3A_23 {strides = array<i32>} : memref<2048xi32, #tpu.memory_space<vmem>>, vector<16xi32>,
      %scan3A_393 = arith.constant 0 : i32
      %scan3A_394 = arith.constant 2 : i32
      %scan3A_395 = arith.addi %scan3A_380, %scan3A_394 : i32
      %mul3A_396 = arith.constant 16 : i32
      %mul3A_397 = arith.muli %scan3A_395, %mul3A_396 : i32
      %swap3A_398 = arith.index_cast %mul3A_397 : i32 to index
      %swap3A_399 = tpu.vector_load %arg8[%swap3A_398] {strides = array<i32>} : memref<2048xi32, #tpu.memory_space<vmem>>, vector<16xi32>,
      tpu.vector_store %arg8[%swap3A_398], %broadcast_in_dim3A_23 {strides = array<i32>} : memref<2048xi32, #tpu.memory_space<vmem>>, vector<16xi32>,
      %scan3A_400 = arith.constant 0 : i32
      %scan3A_401 = arith.constant 3 : i32
      %scan3A_402 = arith.addi %scan3A_380, %scan3A_401 : i32
      %mul3A_403 = arith.constant 16 : i32
      %mul3A_404 = arith.muli %scan3A_402, %mul3A_403 : i32
      %swap3A_405 = arith.index_cast %mul3A_404 : i32 to index
      %swap3A_406 = tpu.vector_load %arg8[%swap3A_405] {strides = array<i32>} : memref<2048xi32, #tpu.memory_space<vmem>>, vector<16xi32>,
      tpu.vector_store %arg8[%swap3A_405], %broadcast_in_dim3A_23 {strides = array<i32>} : memref<2048xi32, #tpu.memory_space<vmem>>, vector<16xi32>,
      %scan3A_407 = arith.constant 0 : i32
      scf.yield %scan3A_407 : i32
    }
    %scan3A_110 = arith.constant 128 : i32
    %scan3A_111 = arith.constant 0 : i32
    %scan3A_112 = arith.constant 0 : i32
    %scan3A_113 = arith.constant 2496 : i32
    %scan3A_114 = arith.addi %scan3A_112, %scan3A_113 : i32
    %scan3A_115 = arith.constant 8 : i32
    %scan3A_116 = scf.for %scan3A_380 = %scan3A_112 to %scan3A_114 step %scan3A_115 iter_args(%scan3A_381 = %scan3A_111) -> (i32)  : i32 {
      %mul3A_382 = arith.constant 16 : i32
      %mul3A_383 = arith.muli %scan3A_380, %mul3A_382 : i32
      %get3A_384 = arith.index_cast %mul3A_383 : i32 to index
      %get3A_385 = tpu.vector_load %arg7[%get3A_384] {strides = array<i32>} : memref<40000xi32, #tpu.memory_space<vmem>>, vector<16xi32>,
      %shift_right_arithmetic3A_386 = arith.constant 20 : i32
      %shift_right_arithmetic3A_387 = vector.broadcast %shift_right_arithmetic3A_386 : i32 to vector<16xi32>
      %shift_right_arithmetic3A_388 = arith.shrsi %get3A_385, %shift_right_arithmetic3A_387 : vector<16xi32>
      %eq3A_389 = arith.cmpi eq, %shift_right_arithmetic3A_388, %gather3A_94 : vector<16xi32>
      %shift_right_arithmetic3A_390 = arith.constant 9 : i32
      %shift_right_arithmetic3A_391 = vector.broadcast %shift_right_arithmetic3A_390 : i32 to vector<16xi32>
      %shift_right_arithmetic3A_392 = arith.shrsi %get3A_385, %shift_right_arithmetic3A_391 : vector<16xi32>
      %and3A_393 = arith.constant 2047 : i32
      %and3A_394 = vector.broadcast %and3A_393 : i32 to vector<16xi32>
      %and3A_395 = arith.andi %shift_right_arithmetic3A_392, %and3A_394 : vector<16xi32>
      tpu.vector_store_idx %arg8[%and3A_395], %broadcast_in_dim3A_21 masked %eq3A_389 {add = true} : memref<2048xi32, #tpu.memory_space<vmem>>[vector<16xi32>], vector<16xi32>, vector<16xi1>
      %scan3A_396 = arith.constant 0 : i32
      %scan3A_397 = arith.constant 1 : i32
      %scan3A_398 = arith.addi %scan3A_380, %scan3A_397 : i32
      %mul3A_399 = arith.constant 16 : i32
      %mul3A_400 = arith.muli %scan3A_398, %mul3A_399 : i32
      %get3A_401 = arith.index_cast %mul3A_400 : i32 to index
      %get3A_402 = tpu.vector_load %arg7[%get3A_401] {strides = array<i32>} : memref<40000xi32, #tpu.memory_space<vmem>>, vector<16xi32>,
      %shift_right_arithmetic3A_403 = arith.constant 20 : i32
      %shift_right_arithmetic3A_404 = vector.broadcast %shift_right_arithmetic3A_403 : i32 to vector<16xi32>
      %shift_right_arithmetic3A_405 = arith.shrsi %get3A_402, %shift_right_arithmetic3A_404 : vector<16xi32>
      %eq3A_406 = arith.cmpi eq, %shift_right_arithmetic3A_405, %gather3A_94 : vector<16xi32>
      %shift_right_arithmetic3A_407 = arith.constant 9 : i32
      %shift_right_arithmetic3A_408 = vector.broadcast %shift_right_arithmetic3A_407 : i32 to vector<16xi32>
      %shift_right_arithmetic3A_409 = arith.shrsi %get3A_402, %shift_right_arithmetic3A_408 : vector<16xi32>
      %and3A_410 = arith.constant 2047 : i32
      %and3A_411 = vector.broadcast %and3A_410 : i32 to vector<16xi32>
      %and3A_412 = arith.andi %shift_right_arithmetic3A_409, %and3A_411 : vector<16xi32>
      tpu.vector_store_idx %arg8[%and3A_412], %broadcast_in_dim3A_21 masked %eq3A_406 {add = true} : memref<2048xi32, #tpu.memory_space<vmem>>[vector<16xi32>], vector<16xi32>, vector<16xi1>
      %scan3A_413 = arith.constant 0 : i32
      %scan3A_414 = arith.constant 2 : i32
      %scan3A_415 = arith.addi %scan3A_380, %scan3A_414 : i32
      %mul3A_416 = arith.constant 16 : i32
      %mul3A_417 = arith.muli %scan3A_415, %mul3A_416 : i32
      %get3A_418 = arith.index_cast %mul3A_417 : i32 to index
      %get3A_419 = tpu.vector_load %arg7[%get3A_418] {strides = array<i32>} : memref<40000xi32, #tpu.memory_space<vmem>>, vector<16xi32>,
      %shift_right_arithmetic3A_420 = arith.constant 20 : i32
      %shift_right_arithmetic3A_421 = vector.broadcast %shift_right_arithmetic3A_420 : i32 to vector<16xi32>
      %shift_right_arithmetic3A_422 = arith.shrsi %get3A_419, %shift_right_arithmetic3A_421 : vector<16xi32>
      %eq3A_423 = arith.cmpi eq, %shift_right_arithmetic3A_422, %gather3A_94 : vector<16xi32>
      %shift_right_arithmetic3A_424 = arith.constant 9 : i32
      %shift_right_arithmetic3A_425 = vector.broadcast %shift_right_arithmetic3A_424 : i32 to vector<16xi32>
      %shift_right_arithmetic3A_426 = arith.shrsi %get3A_419, %shift_right_arithmetic3A_425 : vector<16xi32>
      %and3A_427 = arith.constant 2047 : i32
      %and3A_428 = vector.broadcast %and3A_427 : i32 to vector<16xi32>
      %and3A_429 = arith.andi %shift_right_arithmetic3A_426, %and3A_428 : vector<16xi32>
      tpu.vector_store_idx %arg8[%and3A_429], %broadcast_in_dim3A_21 masked %eq3A_423 {add = true} : memref<2048xi32, #tpu.memory_space<vmem>>[vector<16xi32>], vector<16xi32>, vector<16xi1>
      %scan3A_430 = arith.constant 0 : i32
      %scan3A_431 = arith.constant 3 : i32
      %scan3A_432 = arith.addi %scan3A_380, %scan3A_431 : i32
      %mul3A_433 = arith.constant 16 : i32
      %mul3A_434 = arith.muli %scan3A_432, %mul3A_433 : i32
      %get3A_435 = arith.index_cast %mul3A_434 : i32 to index
      %get3A_436 = tpu.vector_load %arg7[%get3A_435] {strides = array<i32>} : memref<40000xi32, #tpu.memory_space<vmem>>, vector<16xi32>,
      %shift_right_arithmetic3A_437 = arith.constant 20 : i32
      %shift_right_arithmetic3A_438 = vector.broadcast %shift_right_arithmetic3A_437 : i32 to vector<16xi32>
      %shift_right_arithmetic3A_439 = arith.shrsi %get3A_436, %shift_right_arithmetic3A_438 : vector<16xi32>
      %eq3A_440 = arith.cmpi eq, %shift_right_arithmetic3A_439, %gather3A_94 : vector<16xi32>
      %shift_right_arithmetic3A_441 = arith.constant 9 : i32
      %shift_right_arithmetic3A_442 = vector.broadcast %shift_right_arithmetic3A_441 : i32 to vector<16xi32>
      %shift_right_arithmetic3A_443 = arith.shrsi %get3A_436, %shift_right_arithmetic3A_442 : vector<16xi32>
      %and3A_444 = arith.constant 2047 : i32
      %and3A_445 = vector.broadcast %and3A_444 : i32 to vector<16xi32>
      %and3A_446 = arith.andi %shift_right_arithmetic3A_443, %and3A_445 : vector<16xi32>
      tpu.vector_store_idx %arg8[%and3A_446], %broadcast_in_dim3A_21 masked %eq3A_440 {add = true} : memref<2048xi32, #tpu.memory_space<vmem>>[vector<16xi32>], vector<16xi32>, vector<16xi1>
      %scan3A_447 = arith.constant 0 : i32
      %scan3A_448 = arith.constant 4 : i32
      %scan3A_449 = arith.addi %scan3A_380, %scan3A_448 : i32
      %mul3A_450 = arith.constant 16 : i32
      %mul3A_451 = arith.muli %scan3A_449, %mul3A_450 : i32
      %get3A_452 = arith.index_cast %mul3A_451 : i32 to index
      %get3A_453 = tpu.vector_load %arg7[%get3A_452] {strides = array<i32>} : memref<40000xi32, #tpu.memory_space<vmem>>, vector<16xi32>,
      %shift_right_arithmetic3A_454 = arith.constant 20 : i32
      %shift_right_arithmetic3A_455 = vector.broadcast %shift_right_arithmetic3A_454 : i32 to vector<16xi32>
      %shift_right_arithmetic3A_456 = arith.shrsi %get3A_453, %shift_right_arithmetic3A_455 : vector<16xi32>
      %eq3A_457 = arith.cmpi eq, %shift_right_arithmetic3A_456, %gather3A_94 : vector<16xi32>
      %shift_right_arithmetic3A_458 = arith.constant 9 : i32
      %shift_right_arithmetic3A_459 = vector.broadcast %shift_right_arithmetic3A_458 : i32 to vector<16xi32>
      %shift_right_arithmetic3A_460 = arith.shrsi %get3A_453, %shift_right_arithmetic3A_459 : vector<16xi32>
      %and3A_461 = arith.constant 2047 : i32
      %and3A_462 = vector.broadcast %and3A_461 : i32 to vector<16xi32>
      %and3A_463 = arith.andi %shift_right_arithmetic3A_460, %and3A_462 : vector<16xi32>
      tpu.vector_store_idx %arg8[%and3A_463], %broadcast_in_dim3A_21 masked %eq3A_457 {add = true} : memref<2048xi32, #tpu.memory_space<vmem>>[vector<16xi32>], vector<16xi32>, vector<16xi1>
      %scan3A_464 = arith.constant 0 : i32
      %scan3A_465 = arith.constant 5 : i32
      %scan3A_466 = arith.addi %scan3A_380, %scan3A_465 : i32
      %mul3A_467 = arith.constant 16 : i32
      %mul3A_468 = arith.muli %scan3A_466, %mul3A_467 : i32
      %get3A_469 = arith.index_cast %mul3A_468 : i32 to index
      %get3A_470 = tpu.vector_load %arg7[%get3A_469] {strides = array<i32>} : memref<40000xi32, #tpu.memory_space<vmem>>, vector<16xi32>,
      %shift_right_arithmetic3A_471 = arith.constant 20 : i32
      %shift_right_arithmetic3A_472 = vector.broadcast %shift_right_arithmetic3A_471 : i32 to vector<16xi32>
      %shift_right_arithmetic3A_473 = arith.shrsi %get3A_470, %shift_right_arithmetic3A_472 : vector<16xi32>
      %eq3A_474 = arith.cmpi eq, %shift_right_arithmetic3A_473, %gather3A_94 : vector<16xi32>
      %shift_right_arithmetic3A_475 = arith.constant 9 : i32
      %shift_right_arithmetic3A_476 = vector.broadcast %shift_right_arithmetic3A_475 : i32 to vector<16xi32>
      %shift_right_arithmetic3A_477 = arith.shrsi %get3A_470, %shift_right_arithmetic3A_476 : vector<16xi32>
      %and3A_478 = arith.constant 2047 : i32
      %and3A_479 = vector.broadcast %and3A_478 : i32 to vector<16xi32>
      %and3A_480 = arith.andi %shift_right_arithmetic3A_477, %and3A_479 : vector<16xi32>
      tpu.vector_store_idx %arg8[%and3A_480], %broadcast_in_dim3A_21 masked %eq3A_474 {add = true} : memref<2048xi32, #tpu.memory_space<vmem>>[vector<16xi32>], vector<16xi32>, vector<16xi1>
      %scan3A_481 = arith.constant 0 : i32
      %scan3A_482 = arith.constant 6 : i32
      %scan3A_483 = arith.addi %scan3A_380, %scan3A_482 : i32
      %mul3A_484 = arith.constant 16 : i32
      %mul3A_485 = arith.muli %scan3A_483, %mul3A_484 : i32
      %get3A_486 = arith.index_cast %mul3A_485 : i32 to index
      %get3A_487 = tpu.vector_load %arg7[%get3A_486] {strides = array<i32>} : memref<40000xi32, #tpu.memory_space<vmem>>, vector<16xi32>,
      %shift_right_arithmetic3A_488 = arith.constant 20 : i32
      %shift_right_arithmetic3A_489 = vector.broadcast %shift_right_arithmetic3A_488 : i32 to vector<16xi32>
      %shift_right_arithmetic3A_490 = arith.shrsi %get3A_487, %shift_right_arithmetic3A_489 : vector<16xi32>
      %eq3A_491 = arith.cmpi eq, %shift_right_arithmetic3A_490, %gather3A_94 : vector<16xi32>
      %shift_right_arithmetic3A_492 = arith.constant 9 : i32
      %shift_right_arithmetic3A_493 = vector.broadcast %shift_right_arithmetic3A_492 : i32 to vector<16xi32>
      %shift_right_arithmetic3A_494 = arith.shrsi %get3A_487, %shift_right_arithmetic3A_493 : vector<16xi32>
      %and3A_495 = arith.constant 2047 : i32
      %and3A_496 = vector.broadcast %and3A_495 : i32 to vector<16xi32>
      %and3A_497 = arith.andi %shift_right_arithmetic3A_494, %and3A_496 : vector<16xi32>
      tpu.vector_store_idx %arg8[%and3A_497], %broadcast_in_dim3A_21 masked %eq3A_491 {add = true} : memref<2048xi32, #tpu.memory_space<vmem>>[vector<16xi32>], vector<16xi32>, vector<16xi1>
      %scan3A_498 = arith.constant 0 : i32
      %scan3A_499 = arith.constant 7 : i32
      %scan3A_500 = arith.addi %scan3A_380, %scan3A_499 : i32
      %mul3A_501 = arith.constant 16 : i32
      %mul3A_502 = arith.muli %scan3A_500, %mul3A_501 : i32
      %get3A_503 = arith.index_cast %mul3A_502 : i32 to index
      %get3A_504 = tpu.vector_load %arg7[%get3A_503] {strides = array<i32>} : memref<40000xi32, #tpu.memory_space<vmem>>, vector<16xi32>,
      %shift_right_arithmetic3A_505 = arith.constant 20 : i32
      %shift_right_arithmetic3A_506 = vector.broadcast %shift_right_arithmetic3A_505 : i32 to vector<16xi32>
      %shift_right_arithmetic3A_507 = arith.shrsi %get3A_504, %shift_right_arithmetic3A_506 : vector<16xi32>
      %eq3A_508 = arith.cmpi eq, %shift_right_arithmetic3A_507, %gather3A_94 : vector<16xi32>
      %shift_right_arithmetic3A_509 = arith.constant 9 : i32
      %shift_right_arithmetic3A_510 = vector.broadcast %shift_right_arithmetic3A_509 : i32 to vector<16xi32>
      %shift_right_arithmetic3A_511 = arith.shrsi %get3A_504, %shift_right_arithmetic3A_510 : vector<16xi32>
      %and3A_512 = arith.constant 2047 : i32
      %and3A_513 = vector.broadcast %and3A_512 : i32 to vector<16xi32>
      %and3A_514 = arith.andi %shift_right_arithmetic3A_511, %and3A_513 : vector<16xi32>
      tpu.vector_store_idx %arg8[%and3A_514], %broadcast_in_dim3A_21 masked %eq3A_508 {add = true} : memref<2048xi32, #tpu.memory_space<vmem>>[vector<16xi32>], vector<16xi32>, vector<16xi1>
      %scan3A_515 = arith.constant 0 : i32
      scf.yield %scan3A_515 : i32
    }
    %scan3A_117 = arith.constant 2496 : i32
    %scan3A_118 = arith.addi %scan3A_112, %scan3A_117 : i32
    %mul3A_119 = arith.constant 16 : i32
    %mul3A_120 = arith.muli %scan3A_118, %mul3A_119 : i32
    %get3A_121 = arith.index_cast %mul3A_120 : i32 to index
    %get3A_122 = tpu.vector_load %arg7[%get3A_121] {strides = array<i32>} : memref<40000xi32, #tpu.memory_space<vmem>>, vector<16xi32>,
    %shift_right_arithmetic3A_123 = arith.constant 20 : i32
    %shift_right_arithmetic3A_124 = vector.broadcast %shift_right_arithmetic3A_123 : i32 to vector<16xi32>
    %shift_right_arithmetic3A_125 = arith.shrsi %get3A_122, %shift_right_arithmetic3A_124 : vector<16xi32>
    %eq3A = arith.cmpi eq, %shift_right_arithmetic3A_125, %gather3A_94 : vector<16xi32>
    %shift_right_arithmetic3A_126 = arith.constant 9 : i32
    %shift_right_arithmetic3A_127 = vector.broadcast %shift_right_arithmetic3A_126 : i32 to vector<16xi32>
    %shift_right_arithmetic3A_128 = arith.shrsi %get3A_122, %shift_right_arithmetic3A_127 : vector<16xi32>
    %and3A_129 = arith.constant 2047 : i32
    %and3A_130 = vector.broadcast %and3A_129 : i32 to vector<16xi32>
    %and3A_131 = arith.andi %shift_right_arithmetic3A_128, %and3A_130 : vector<16xi32>
    tpu.vector_store_idx %arg8[%and3A_131], %broadcast_in_dim3A_21 masked %eq3A {add = true} : memref<2048xi32, #tpu.memory_space<vmem>>[vector<16xi32>], vector<16xi32>, vector<16xi1>
    %scan3A_132 = arith.constant 0 : i32
    %scan3A_133 = arith.constant 2497 : i32
    %scan3A_134 = arith.addi %scan3A_112, %scan3A_133 : i32
    %mul3A_135 = arith.constant 16 : i32
    %mul3A_136 = arith.muli %scan3A_134, %mul3A_135 : i32
    %get3A_137 = arith.index_cast %mul3A_136 : i32 to index
    %get3A_138 = tpu.vector_load %arg7[%get3A_137] {strides = array<i32>} : memref<40000xi32, #tpu.memory_space<vmem>>, vector<16xi32>,
    %shift_right_arithmetic3A_139 = arith.constant 20 : i32
    %shift_right_arithmetic3A_140 = vector.broadcast %shift_right_arithmetic3A_139 : i32 to vector<16xi32>
    %shift_right_arithmetic3A_141 = arith.shrsi %get3A_138, %shift_right_arithmetic3A_140 : vector<16xi32>
    %eq3A_142 = arith.cmpi eq, %shift_right_arithmetic3A_141, %gather3A_94 : vector<16xi32>
    %shift_right_arithmetic3A_143 = arith.constant 9 : i32
    %shift_right_arithmetic3A_144 = vector.broadcast %shift_right_arithmetic3A_143 : i32 to vector<16xi32>
    %shift_right_arithmetic3A_145 = arith.shrsi %get3A_138, %shift_right_arithmetic3A_144 : vector<16xi32>
    %and3A_146 = arith.constant 2047 : i32
    %and3A_147 = vector.broadcast %and3A_146 : i32 to vector<16xi32>
    %and3A_148 = arith.andi %shift_right_arithmetic3A_145, %and3A_147 : vector<16xi32>
    tpu.vector_store_idx %arg8[%and3A_148], %broadcast_in_dim3A_21 masked %eq3A_142 {add = true} : memref<2048xi32, #tpu.memory_space<vmem>>[vector<16xi32>], vector<16xi32>, vector<16xi1>
    %scan3A_149 = arith.constant 0 : i32
    %scan3A_150 = arith.constant 2498 : i32
    %scan3A_151 = arith.addi %scan3A_112, %scan3A_150 : i32
    %mul3A_152 = arith.constant 16 : i32
    %mul3A_153 = arith.muli %scan3A_151, %mul3A_152 : i32
    %get3A_154 = arith.index_cast %mul3A_153 : i32 to index
    %get3A_155 = tpu.vector_load %arg7[%get3A_154] {strides = array<i32>} : memref<40000xi32, #tpu.memory_space<vmem>>, vector<16xi32>,
    %shift_right_arithmetic3A_156 = arith.constant 20 : i32
    %shift_right_arithmetic3A_157 = vector.broadcast %shift_right_arithmetic3A_156 : i32 to vector<16xi32>
    %shift_right_arithmetic3A_158 = arith.shrsi %get3A_155, %shift_right_arithmetic3A_157 : vector<16xi32>
    %eq3A_159 = arith.cmpi eq, %shift_right_arithmetic3A_158, %gather3A_94 : vector<16xi32>
    %shift_right_arithmetic3A_160 = arith.constant 9 : i32
    %shift_right_arithmetic3A_161 = vector.broadcast %shift_right_arithmetic3A_160 : i32 to vector<16xi32>
    %shift_right_arithmetic3A_162 = arith.shrsi %get3A_155, %shift_right_arithmetic3A_161 : vector<16xi32>
    %and3A_163 = arith.constant 2047 : i32
    %and3A_164 = vector.broadcast %and3A_163 : i32 to vector<16xi32>
    %and3A_165 = arith.andi %shift_right_arithmetic3A_162, %and3A_164 : vector<16xi32>
    tpu.vector_store_idx %arg8[%and3A_165], %broadcast_in_dim3A_21 masked %eq3A_159 {add = true} : memref<2048xi32, #tpu.memory_space<vmem>>[vector<16xi32>], vector<16xi32>, vector<16xi1>
    %scan3A_166 = arith.constant 0 : i32
    %scan3A_167 = arith.constant 2499 : i32
    %scan3A_168 = arith.addi %scan3A_112, %scan3A_167 : i32
    %mul3A_169 = arith.constant 16 : i32
    %mul3A_170 = arith.muli %scan3A_168, %mul3A_169 : i32
    %get3A_171 = arith.index_cast %mul3A_170 : i32 to index
    %get3A_172 = tpu.vector_load %arg7[%get3A_171] {strides = array<i32>} : memref<40000xi32, #tpu.memory_space<vmem>>, vector<16xi32>,
    %shift_right_arithmetic3A_173 = arith.constant 20 : i32
    %shift_right_arithmetic3A_174 = vector.broadcast %shift_right_arithmetic3A_173 : i32 to vector<16xi32>
    %shift_right_arithmetic3A_175 = arith.shrsi %get3A_172, %shift_right_arithmetic3A_174 : vector<16xi32>
    %eq3A_176 = arith.cmpi eq, %shift_right_arithmetic3A_175, %gather3A_94 : vector<16xi32>
    %shift_right_arithmetic3A_177 = arith.constant 9 : i32
    %shift_right_arithmetic3A_178 = vector.broadcast %shift_right_arithmetic3A_177 : i32 to vector<16xi32>
    %shift_right_arithmetic3A_179 = arith.shrsi %get3A_172, %shift_right_arithmetic3A_178 : vector<16xi32>
    %and3A_180 = arith.constant 2047 : i32
    %and3A_181 = vector.broadcast %and3A_180 : i32 to vector<16xi32>
    %and3A_182 = arith.andi %shift_right_arithmetic3A_179, %and3A_181 : vector<16xi32>
    tpu.vector_store_idx %arg8[%and3A_182], %broadcast_in_dim3A_21 masked %eq3A_176 {add = true} : memref<2048xi32, #tpu.memory_space<vmem>>[vector<16xi32>], vector<16xi32>, vector<16xi1>
    %scan3A_183 = arith.constant 0 : i32
    %scan3A_184 = arith.constant 2500 : i32
    "tpu.region"() ({
      %run_scoped3A = tpu.sem_alloc : memref<!tpu.dma_semaphore, #tpu.memory_space<semaphore_mem>>
      %dma_start3A = arith.constant 0 : i32
      %dma_start3A_380 = tpu.memref_slice %arg6[%add3A, %dma_start3A] : memref<32x2048xi32, #tpu.memory_space<hbm>> -> memref<1x2048xi32, #tpu.memory_space<hbm>>
      %dma_start3A_381 = tpu.memref_squeeze %dma_start3A_380 : memref<1x2048xi32, #tpu.memory_space<hbm>> -> memref<2048xi32, #tpu.memory_space<hbm>>
      %dma_start3A_382 = arith.constant 0 : i32
      %dma_start3A_383 = tpu.memref_slice %arg6[%add3A, %dma_start3A_382] : memref<32x2048xi32, #tpu.memory_space<hbm>> -> memref<1x2048xi32, #tpu.memory_space<hbm>>
      %dma_start3A_384 = tpu.memref_squeeze %dma_start3A_383 : memref<1x2048xi32, #tpu.memory_space<hbm>> -> memref<2048xi32, #tpu.memory_space<hbm>>
      tpu.enqueue_dma source(%arg8 : memref<2048xi32, #tpu.memory_space<vmem>>) target(%dma_start3A_384 : memref<2048xi32, #tpu.memory_space<hbm>>) target_semaphore(%run_scoped3A : memref<!tpu.dma_semaphore, #tpu.memory_space<semaphore_mem>>)
      %dma_wait3A = arith.constant 0 : i32
      %dma_wait3A_385 = tpu.memref_slice %arg6[%add3A, %dma_wait3A] : memref<32x2048xi32, #tpu.memory_space<hbm>> -> memref<1x2048xi32, #tpu.memory_space<hbm>>
      %dma_wait3A_386 = tpu.memref_squeeze %dma_wait3A_385 : memref<1x2048xi32, #tpu.memory_space<hbm>> -> memref<2048xi32, #tpu.memory_space<hbm>>
      %dma_wait3A_387 = arith.constant 0 : i32
      %dma_wait3A_388 = tpu.memref_slice %arg6[%add3A, %dma_wait3A_387] : memref<32x2048xi32, #tpu.memory_space<hbm>> -> memref<1x2048xi32, #tpu.memory_space<hbm>>
      %dma_wait3A_389 = tpu.memref_squeeze %dma_wait3A_388 : memref<1x2048xi32, #tpu.memory_space<hbm>> -> memref<2048xi32, #tpu.memory_space<hbm>>
      tpu.wait_dma2 semaphore(%run_scoped3A : memref<!tpu.dma_semaphore, #tpu.memory_space<semaphore_mem>>) src(%arg8 : memref<2048xi32, #tpu.memory_space<vmem>>) dst(%dma_wait3A_389 : memref<2048xi32, #tpu.memory_space<hbm>>)
      tpu.yield
    }) : () -> ()
    %barrier3A_185 = arith.constant 0 : index
    tpu.barrier barrier_id(%barrier3A_185)
    %mul3A_186 = arith.constant 16 : i32
    %mul3A_187 = arith.muli %arg0, %mul3A_186 : i32
    %add3A_188 = arith.addi %mul3A_187, %mul3A_18 : i32
    "tpu.region"() ({
      %run_scoped3A = tpu.sem_alloc : memref<!tpu.dma_semaphore, #tpu.memory_space<semaphore_mem>>
      %dma_start3A = arith.constant 0 : i32
      %dma_start3A_380 = tpu.memref_slice %arg6[%add3A_188, %dma_start3A] : memref<32x2048xi32, #tpu.memory_space<hbm>> -> memref<4x2048xi32, #tpu.memory_space<hbm>>
      %dma_start3A_381 = arith.constant 0 : i32
      %dma_start3A_382 = tpu.memref_slice %arg6[%add3A_188, %dma_start3A_381] : memref<32x2048xi32, #tpu.memory_space<hbm>> -> memref<4x2048xi32, #tpu.memory_space<hbm>>
      tpu.enqueue_dma source(%dma_start3A_382 : memref<4x2048xi32, #tpu.memory_space<hbm>>) target(%arg9 : memref<4x2048xi32, #tpu.memory_space<vmem>>) target_semaphore(%run_scoped3A : memref<!tpu.dma_semaphore, #tpu.memory_space<semaphore_mem>>)
      %dma_wait3A = arith.constant 0 : i32
      %dma_wait3A_383 = tpu.memref_slice %arg6[%add3A_188, %dma_wait3A] : memref<32x2048xi32, #tpu.memory_space<hbm>> -> memref<4x2048xi32, #tpu.memory_space<hbm>>
      %dma_wait3A_384 = arith.constant 0 : i32
      %dma_wait3A_385 = tpu.memref_slice %arg6[%add3A_188, %dma_wait3A_384] : memref<32x2048xi32, #tpu.memory_space<hbm>> -> memref<4x2048xi32, #tpu.memory_space<hbm>>
      tpu.wait_dma2 semaphore(%run_scoped3A : memref<!tpu.dma_semaphore, #tpu.memory_space<semaphore_mem>>) src(%dma_wait3A_385 : memref<4x2048xi32, #tpu.memory_space<hbm>>) dst(%arg9 : memref<4x2048xi32, #tpu.memory_space<vmem>>)
      tpu.yield
    }) : () -> ()
    %barrier3A_189 = arith.constant 0 : index
    tpu.barrier barrier_id(%barrier3A_189)
    %scan3A_190 = arith.constant 0 : i32
    %scan3A_191 = arith.constant 128 : i32
    %scan3A_192 = arith.addi %scan3A_190, %scan3A_191 : i32
    %scan3A_193 = arith.constant 1 : i32
    %scan3A_194:3 = scf.for %scan3A_380 = %scan3A_190 to %scan3A_192 step %scan3A_193 iter_args(%scan3A_381 = %broadcast_in_dim3A_23, %scan3A_382 = %broadcast_in_dim3A_23, %scan3A_383 = %broadcast_in_dim3A_23) -> (vector<16xi32>, vector<16xi32>, vector<16xi32>)  : i32 {
      %sub3A_384 = arith.constant 127 : i32
      %sub3A_385 = arith.subi %sub3A_384, %scan3A_380 : i32
      %mul3A_386 = arith.constant 16 : i32
      %mul3A_387 = arith.muli %sub3A_385, %mul3A_386 : i32
      %get3A_388 = arith.constant 0 : i32
      %get3A_389 = arith.index_cast %get3A_388 : i32 to index
      %get3A_390 = arith.index_cast %mul3A_387 : i32 to index
      %get3A_391 = tpu.vector_load %arg9[%get3A_389, %get3A_390] {strides = array<i32>} : memref<4x2048xi32, #tpu.memory_space<vmem>>, vector<16xi32>,
      %get3A_392 = arith.constant 1 : i32
      %get3A_393 = arith.index_cast %get3A_392 : i32 to index
      %get3A_394 = arith.index_cast %mul3A_387 : i32 to index
      %get3A_395 = tpu.vector_load %arg9[%get3A_393, %get3A_394] {strides = array<i32>} : memref<4x2048xi32, #tpu.memory_space<vmem>>, vector<16xi32>,
      %add3A_396 = arith.addi %get3A_391, %get3A_395 : vector<16xi32>
      %get3A_397 = arith.constant 2 : i32
      %get3A_398 = arith.index_cast %get3A_397 : i32 to index
      %get3A_399 = arith.index_cast %mul3A_387 : i32 to index
      %get3A_400 = tpu.vector_load %arg9[%get3A_398, %get3A_399] {strides = array<i32>} : memref<4x2048xi32, #tpu.memory_space<vmem>>, vector<16xi32>,
      %add3A_401 = arith.addi %add3A_396, %get3A_400 : vector<16xi32>
      %get3A_402 = arith.constant 3 : i32
      %get3A_403 = arith.index_cast %get3A_402 : i32 to index
      %get3A_404 = arith.index_cast %mul3A_387 : i32 to index
      %get3A_405 = tpu.vector_load %arg9[%get3A_403, %get3A_404] {strides = array<i32>} : memref<4x2048xi32, #tpu.memory_space<vmem>>, vector<16xi32>,
      %add3A_406 = arith.addi %add3A_401, %get3A_405 : vector<16xi32>
      %rev3A = arith.constant 15 : i32
      %rev3A_407 = vector.broadcast %rev3A : i32 to vector<16xi32>
      %rev3A_408 = tpu.iota {dimensions = array<i32: 0>} : vector<16xi32>
      %rev3A_409 = arith.subi %rev3A_407, %rev3A_408 : vector<16xi32>
      %rev3A_410 = tpu.dynamic_gather %add3A_406[%rev3A_409] in [0] : vector<16xi32>, vector<16xi32> -> vector<16xi32>
      %broadcast_in_dim3A_411 = arith.constant true
      %broadcast_in_dim3A_412 = vector.broadcast %broadcast_in_dim3A_411 : i1 to vector<16xi1>
      %masked_cumsum3A_413 = tpu.scan <sum>, %rev3A_410 masked %broadcast_in_dim3A_412 : vector<16xi32>, vector<16xi1> -> vector<16xi32>
      %rev3A_414 = arith.constant 15 : i32
      %rev3A_415 = vector.broadcast %rev3A_414 : i32 to vector<16xi32>
      %rev3A_416 = tpu.iota {dimensions = array<i32: 0>} : vector<16xi32>
      %rev3A_417 = arith.subi %rev3A_415, %rev3A_416 : vector<16xi32>
      %rev3A_418 = tpu.dynamic_gather %masked_cumsum3A_413[%rev3A_417] in [0] : vector<16xi32>, vector<16xi32> -> vector<16xi32>
      %add3A_419 = arith.addi %scan3A_381, %rev3A_418 : vector<16xi32>
      %sub3A_420 = arith.subi %add3A_419, %add3A_406 : vector<16xi32>
      %lt3A = arith.cmpi slt, %sub3A_420, %sub3A_103 : vector<16xi32>
      %ge3A = arith.cmpi sge, %add3A_419, %sub3A_103 : vector<16xi32>
      %and3A_421 = arith.andi %lt3A, %ge3A : vector<16xi1>
      %convert_element_type3A = arith.extui %and3A_421 : vector<16xi1> to vector<16xi32>
      %mul3A_422 = arith.constant 16 : i32
      %mul3A_423 = arith.muli %sub3A_385, %mul3A_422 : i32
      %add3A_424 = vector.broadcast %mul3A_423 : i32 to vector<16xi32>
      %add3A_425 = arith.addi %add3A_424, %iota3A : vector<16xi32>
      %mul3A_426 = arith.muli %convert_element_type3A, %add3A_425 : vector<16xi32>
      %add3A_427 = arith.addi %scan3A_382, %mul3A_426 : vector<16xi32>
      %mul3A_428 = arith.muli %convert_element_type3A, %sub3A_420 : vector<16xi32>
      %add3A_429 = arith.addi %scan3A_383, %mul3A_428 : vector<16xi32>
      %broadcast_in_dim3A_430 = arith.constant 0 : i32
      %broadcast_in_dim3A_431 = vector.broadcast %broadcast_in_dim3A_430 : i32 to vector<16xi32>
      %broadcast_in_dim3A_432 = vector.shape_cast %broadcast_in_dim3A_431 : vector<16xi32> to vector<16x1xi32>
      %gather3A_433 = vector.shape_cast %broadcast_in_dim3A_432 : vector<16x1xi32> to vector<16xi32>
      %gather3A_434 = tpu.dynamic_gather %rev3A_418[%gather3A_433] in [0] : vector<16xi32>, vector<16xi32> -> vector<16xi32>
      %add3A_435 = arith.addi %scan3A_381, %gather3A_434 : vector<16xi32>
      scf.yield %add3A_435, %add3A_427, %add3A_429 : vector<16xi32>, vector<16xi32>, vector<16xi32>
    }
    %scan3A_195 = arith.constant 128 : i32
    %broadcast_in_dim3A_196 = arith.constant true
    %broadcast_in_dim3A_197 = vector.broadcast %broadcast_in_dim3A_196 : i1 to vector<16xi1>
    %masked_cumsum3A_198 = tpu.scan <sum>, %scan3A_194#1 masked %broadcast_in_dim3A_197 : vector<16xi32>, vector<16xi1> -> vector<16xi32>
    %broadcast_in_dim3A_199 = arith.constant 15 : i32
    %broadcast_in_dim3A_200 = vector.broadcast %broadcast_in_dim3A_199 : i32 to vector<16xi32>
    %broadcast_in_dim3A_201 = vector.shape_cast %broadcast_in_dim3A_200 : vector<16xi32> to vector<16x1xi32>
    %gather3A_202 = vector.shape_cast %broadcast_in_dim3A_201 : vector<16x1xi32> to vector<16xi32>
    %gather3A_203 = tpu.dynamic_gather %masked_cumsum3A_198[%gather3A_202] in [0] : vector<16xi32>, vector<16xi32> -> vector<16xi32>
    %broadcast_in_dim3A_204 = arith.constant true
    %broadcast_in_dim3A_205 = vector.broadcast %broadcast_in_dim3A_204 : i1 to vector<16xi1>
    %masked_cumsum3A_206 = tpu.scan <sum>, %scan3A_194#2 masked %broadcast_in_dim3A_205 : vector<16xi32>, vector<16xi1> -> vector<16xi32>
    %broadcast_in_dim3A_207 = arith.constant 15 : i32
    %broadcast_in_dim3A_208 = vector.broadcast %broadcast_in_dim3A_207 : i32 to vector<16xi32>
    %broadcast_in_dim3A_209 = vector.shape_cast %broadcast_in_dim3A_208 : vector<16xi32> to vector<16x1xi32>
    %gather3A_210 = vector.shape_cast %broadcast_in_dim3A_209 : vector<16x1xi32> to vector<16xi32>
    %gather3A_211 = tpu.dynamic_gather %masked_cumsum3A_206[%gather3A_210] in [0] : vector<16xi32>, vector<16xi32> -> vector<16xi32>
    %sub3A_212 = arith.subi %sub3A_103, %gather3A_211 : vector<16xi32>
    %scan3A_213 = arith.constant 0 : i32
    %scan3A_214 = arith.constant 0 : i32
    %scan3A_215 = arith.constant 128 : i32
    %scan3A_216 = arith.addi %scan3A_214, %scan3A_215 : i32
    %scan3A_217 = arith.constant 4 : i32
    %scan3A_218 = scf.for %scan3A_380 = %scan3A_214 to %scan3A_216 step %scan3A_217 iter_args(%scan3A_381 = %scan3A_213) -> (i32)  : i32 {
      %mul3A_382 = arith.constant 16 : i32
      %mul3A_383 = arith.muli %scan3A_380, %mul3A_382 : i32
      %swap3A_384 = arith.index_cast %mul3A_383 : i32 to index
      %swap3A_385 = tpu.vector_load %arg8[%swap3A_384] {strides = array<i32>} : memref<2048xi32, #tpu.memory_space<vmem>>, vector<16xi32>,
      tpu.vector_store %arg8[%swap3A_384], %broadcast_in_dim3A_23 {strides = array<i32>} : memref<2048xi32, #tpu.memory_space<vmem>>, vector<16xi32>,
      %scan3A_386 = arith.constant 0 : i32
      %scan3A_387 = arith.constant 1 : i32
      %scan3A_388 = arith.addi %scan3A_380, %scan3A_387 : i32
      %mul3A_389 = arith.constant 16 : i32
      %mul3A_390 = arith.muli %scan3A_388, %mul3A_389 : i32
      %swap3A_391 = arith.index_cast %mul3A_390 : i32 to index
      %swap3A_392 = tpu.vector_load %arg8[%swap3A_391] {strides = array<i32>} : memref<2048xi32, #tpu.memory_space<vmem>>, vector<16xi32>,
      tpu.vector_store %arg8[%swap3A_391], %broadcast_in_dim3A_23 {strides = array<i32>} : memref<2048xi32, #tpu.memory_space<vmem>>, vector<16xi32>,
      %scan3A_393 = arith.constant 0 : i32
      %scan3A_394 = arith.constant 2 : i32
      %scan3A_395 = arith.addi %scan3A_380, %scan3A_394 : i32
      %mul3A_396 = arith.constant 16 : i32
      %mul3A_397 = arith.muli %scan3A_395, %mul3A_396 : i32
      %swap3A_398 = arith.index_cast %mul3A_397 : i32 to index
      %swap3A_399 = tpu.vector_load %arg8[%swap3A_398] {strides = array<i32>} : memref<2048xi32, #tpu.memory_space<vmem>>, vector<16xi32>,
      tpu.vector_store %arg8[%swap3A_398], %broadcast_in_dim3A_23 {strides = array<i32>} : memref<2048xi32, #tpu.memory_space<vmem>>, vector<16xi32>,
      %scan3A_400 = arith.constant 0 : i32
      %scan3A_401 = arith.constant 3 : i32
      %scan3A_402 = arith.addi %scan3A_380, %scan3A_401 : i32
      %mul3A_403 = arith.constant 16 : i32
      %mul3A_404 = arith.muli %scan3A_402, %mul3A_403 : i32
      %swap3A_405 = arith.index_cast %mul3A_404 : i32 to index
      %swap3A_406 = tpu.vector_load %arg8[%swap3A_405] {strides = array<i32>} : memref<2048xi32, #tpu.memory_space<vmem>>, vector<16xi32>,
      tpu.vector_store %arg8[%swap3A_405], %broadcast_in_dim3A_23 {strides = array<i32>} : memref<2048xi32, #tpu.memory_space<vmem>>, vector<16xi32>,
      %scan3A_407 = arith.constant 0 : i32
      scf.yield %scan3A_407 : i32
    }
    %scan3A_219 = arith.constant 128 : i32
    %mul3A_220 = arith.constant 2048 : i32
    %mul3A_221 = vector.broadcast %mul3A_220 : i32 to vector<16xi32>
    %mul3A_222 = arith.muli %gather3A_94, %mul3A_221 : vector<16xi32>
    %add3A_223 = arith.addi %mul3A_222, %gather3A_203 : vector<16xi32>
    %scan3A_224 = arith.constant 0 : i32
    %scan3A_225 = arith.constant 0 : i32
    %scan3A_226 = arith.constant 2496 : i32
    %scan3A_227 = arith.addi %scan3A_225, %scan3A_226 : i32
    %scan3A_228 = arith.constant 8 : i32
    %scan3A_229 = scf.for %scan3A_380 = %scan3A_225 to %scan3A_227 step %scan3A_228 iter_args(%scan3A_381 = %scan3A_224) -> (i32)  : i32 {
      %mul3A_382 = arith.constant 16 : i32
      %mul3A_383 = arith.muli %scan3A_380, %mul3A_382 : i32
      %get3A_384 = arith.index_cast %mul3A_383 : i32 to index
      %get3A_385 = tpu.vector_load %arg7[%get3A_384] {strides = array<i32>} : memref<40000xi32, #tpu.memory_space<vmem>>, vector<16xi32>,
      %shift_right_arithmetic3A_386 = arith.constant 9 : i32
      %shift_right_arithmetic3A_387 = vector.broadcast %shift_right_arithmetic3A_386 : i32 to vector<16xi32>
      %shift_right_arithmetic3A_388 = arith.shrsi %get3A_385, %shift_right_arithmetic3A_387 : vector<16xi32>
      %eq3A_389 = arith.cmpi eq, %shift_right_arithmetic3A_388, %add3A_223 : vector<16xi32>
      %and3A_390 = arith.constant 511 : i32
      %and3A_391 = vector.broadcast %and3A_390 : i32 to vector<16xi32>
      %and3A_392 = arith.andi %get3A_385, %and3A_391 : vector<16xi32>
      tpu.vector_store_idx %arg8[%and3A_392], %broadcast_in_dim3A_21 masked %eq3A_389 {add = true} : memref<2048xi32, #tpu.memory_space<vmem>>[vector<16xi32>], vector<16xi32>, vector<16xi1>
      %scan3A_393 = arith.constant 0 : i32
      %scan3A_394 = arith.constant 1 : i32
      %scan3A_395 = arith.addi %scan3A_380, %scan3A_394 : i32
      %mul3A_396 = arith.constant 16 : i32
      %mul3A_397 = arith.muli %scan3A_395, %mul3A_396 : i32
      %get3A_398 = arith.index_cast %mul3A_397 : i32 to index
      %get3A_399 = tpu.vector_load %arg7[%get3A_398] {strides = array<i32>} : memref<40000xi32, #tpu.memory_space<vmem>>, vector<16xi32>,
      %shift_right_arithmetic3A_400 = arith.constant 9 : i32
      %shift_right_arithmetic3A_401 = vector.broadcast %shift_right_arithmetic3A_400 : i32 to vector<16xi32>
      %shift_right_arithmetic3A_402 = arith.shrsi %get3A_399, %shift_right_arithmetic3A_401 : vector<16xi32>
      %eq3A_403 = arith.cmpi eq, %shift_right_arithmetic3A_402, %add3A_223 : vector<16xi32>
      %and3A_404 = arith.constant 511 : i32
      %and3A_405 = vector.broadcast %and3A_404 : i32 to vector<16xi32>
      %and3A_406 = arith.andi %get3A_399, %and3A_405 : vector<16xi32>
      tpu.vector_store_idx %arg8[%and3A_406], %broadcast_in_dim3A_21 masked %eq3A_403 {add = true} : memref<2048xi32, #tpu.memory_space<vmem>>[vector<16xi32>], vector<16xi32>, vector<16xi1>
      %scan3A_407 = arith.constant 0 : i32
      %scan3A_408 = arith.constant 2 : i32
      %scan3A_409 = arith.addi %scan3A_380, %scan3A_408 : i32
      %mul3A_410 = arith.constant 16 : i32
      %mul3A_411 = arith.muli %scan3A_409, %mul3A_410 : i32
      %get3A_412 = arith.index_cast %mul3A_411 : i32 to index
      %get3A_413 = tpu.vector_load %arg7[%get3A_412] {strides = array<i32>} : memref<40000xi32, #tpu.memory_space<vmem>>, vector<16xi32>,
      %shift_right_arithmetic3A_414 = arith.constant 9 : i32
      %shift_right_arithmetic3A_415 = vector.broadcast %shift_right_arithmetic3A_414 : i32 to vector<16xi32>
      %shift_right_arithmetic3A_416 = arith.shrsi %get3A_413, %shift_right_arithmetic3A_415 : vector<16xi32>
      %eq3A_417 = arith.cmpi eq, %shift_right_arithmetic3A_416, %add3A_223 : vector<16xi32>
      %and3A_418 = arith.constant 511 : i32
      %and3A_419 = vector.broadcast %and3A_418 : i32 to vector<16xi32>
      %and3A_420 = arith.andi %get3A_413, %and3A_419 : vector<16xi32>
      tpu.vector_store_idx %arg8[%and3A_420], %broadcast_in_dim3A_21 masked %eq3A_417 {add = true} : memref<2048xi32, #tpu.memory_space<vmem>>[vector<16xi32>], vector<16xi32>, vector<16xi1>
      %scan3A_421 = arith.constant 0 : i32
      %scan3A_422 = arith.constant 3 : i32
      %scan3A_423 = arith.addi %scan3A_380, %scan3A_422 : i32
      %mul3A_424 = arith.constant 16 : i32
      %mul3A_425 = arith.muli %scan3A_423, %mul3A_424 : i32
      %get3A_426 = arith.index_cast %mul3A_425 : i32 to index
      %get3A_427 = tpu.vector_load %arg7[%get3A_426] {strides = array<i32>} : memref<40000xi32, #tpu.memory_space<vmem>>, vector<16xi32>,
      %shift_right_arithmetic3A_428 = arith.constant 9 : i32
      %shift_right_arithmetic3A_429 = vector.broadcast %shift_right_arithmetic3A_428 : i32 to vector<16xi32>
      %shift_right_arithmetic3A_430 = arith.shrsi %get3A_427, %shift_right_arithmetic3A_429 : vector<16xi32>
      %eq3A_431 = arith.cmpi eq, %shift_right_arithmetic3A_430, %add3A_223 : vector<16xi32>
      %and3A_432 = arith.constant 511 : i32
      %and3A_433 = vector.broadcast %and3A_432 : i32 to vector<16xi32>
      %and3A_434 = arith.andi %get3A_427, %and3A_433 : vector<16xi32>
      tpu.vector_store_idx %arg8[%and3A_434], %broadcast_in_dim3A_21 masked %eq3A_431 {add = true} : memref<2048xi32, #tpu.memory_space<vmem>>[vector<16xi32>], vector<16xi32>, vector<16xi1>
      %scan3A_435 = arith.constant 0 : i32
      %scan3A_436 = arith.constant 4 : i32
      %scan3A_437 = arith.addi %scan3A_380, %scan3A_436 : i32
      %mul3A_438 = arith.constant 16 : i32
      %mul3A_439 = arith.muli %scan3A_437, %mul3A_438 : i32
      %get3A_440 = arith.index_cast %mul3A_439 : i32 to index
      %get3A_441 = tpu.vector_load %arg7[%get3A_440] {strides = array<i32>} : memref<40000xi32, #tpu.memory_space<vmem>>, vector<16xi32>,
      %shift_right_arithmetic3A_442 = arith.constant 9 : i32
      %shift_right_arithmetic3A_443 = vector.broadcast %shift_right_arithmetic3A_442 : i32 to vector<16xi32>
      %shift_right_arithmetic3A_444 = arith.shrsi %get3A_441, %shift_right_arithmetic3A_443 : vector<16xi32>
      %eq3A_445 = arith.cmpi eq, %shift_right_arithmetic3A_444, %add3A_223 : vector<16xi32>
      %and3A_446 = arith.constant 511 : i32
      %and3A_447 = vector.broadcast %and3A_446 : i32 to vector<16xi32>
      %and3A_448 = arith.andi %get3A_441, %and3A_447 : vector<16xi32>
      tpu.vector_store_idx %arg8[%and3A_448], %broadcast_in_dim3A_21 masked %eq3A_445 {add = true} : memref<2048xi32, #tpu.memory_space<vmem>>[vector<16xi32>], vector<16xi32>, vector<16xi1>
      %scan3A_449 = arith.constant 0 : i32
      %scan3A_450 = arith.constant 5 : i32
      %scan3A_451 = arith.addi %scan3A_380, %scan3A_450 : i32
      %mul3A_452 = arith.constant 16 : i32
      %mul3A_453 = arith.muli %scan3A_451, %mul3A_452 : i32
      %get3A_454 = arith.index_cast %mul3A_453 : i32 to index
      %get3A_455 = tpu.vector_load %arg7[%get3A_454] {strides = array<i32>} : memref<40000xi32, #tpu.memory_space<vmem>>, vector<16xi32>,
      %shift_right_arithmetic3A_456 = arith.constant 9 : i32
      %shift_right_arithmetic3A_457 = vector.broadcast %shift_right_arithmetic3A_456 : i32 to vector<16xi32>
      %shift_right_arithmetic3A_458 = arith.shrsi %get3A_455, %shift_right_arithmetic3A_457 : vector<16xi32>
      %eq3A_459 = arith.cmpi eq, %shift_right_arithmetic3A_458, %add3A_223 : vector<16xi32>
      %and3A_460 = arith.constant 511 : i32
      %and3A_461 = vector.broadcast %and3A_460 : i32 to vector<16xi32>
      %and3A_462 = arith.andi %get3A_455, %and3A_461 : vector<16xi32>
      tpu.vector_store_idx %arg8[%and3A_462], %broadcast_in_dim3A_21 masked %eq3A_459 {add = true} : memref<2048xi32, #tpu.memory_space<vmem>>[vector<16xi32>], vector<16xi32>, vector<16xi1>
      %scan3A_463 = arith.constant 0 : i32
      %scan3A_464 = arith.constant 6 : i32
      %scan3A_465 = arith.addi %scan3A_380, %scan3A_464 : i32
      %mul3A_466 = arith.constant 16 : i32
      %mul3A_467 = arith.muli %scan3A_465, %mul3A_466 : i32
      %get3A_468 = arith.index_cast %mul3A_467 : i32 to index
      %get3A_469 = tpu.vector_load %arg7[%get3A_468] {strides = array<i32>} : memref<40000xi32, #tpu.memory_space<vmem>>, vector<16xi32>,
      %shift_right_arithmetic3A_470 = arith.constant 9 : i32
      %shift_right_arithmetic3A_471 = vector.broadcast %shift_right_arithmetic3A_470 : i32 to vector<16xi32>
      %shift_right_arithmetic3A_472 = arith.shrsi %get3A_469, %shift_right_arithmetic3A_471 : vector<16xi32>
      %eq3A_473 = arith.cmpi eq, %shift_right_arithmetic3A_472, %add3A_223 : vector<16xi32>
      %and3A_474 = arith.constant 511 : i32
      %and3A_475 = vector.broadcast %and3A_474 : i32 to vector<16xi32>
      %and3A_476 = arith.andi %get3A_469, %and3A_475 : vector<16xi32>
      tpu.vector_store_idx %arg8[%and3A_476], %broadcast_in_dim3A_21 masked %eq3A_473 {add = true} : memref<2048xi32, #tpu.memory_space<vmem>>[vector<16xi32>], vector<16xi32>, vector<16xi1>
      %scan3A_477 = arith.constant 0 : i32
      %scan3A_478 = arith.constant 7 : i32
      %scan3A_479 = arith.addi %scan3A_380, %scan3A_478 : i32
      %mul3A_480 = arith.constant 16 : i32
      %mul3A_481 = arith.muli %scan3A_479, %mul3A_480 : i32
      %get3A_482 = arith.index_cast %mul3A_481 : i32 to index
      %get3A_483 = tpu.vector_load %arg7[%get3A_482] {strides = array<i32>} : memref<40000xi32, #tpu.memory_space<vmem>>, vector<16xi32>,
      %shift_right_arithmetic3A_484 = arith.constant 9 : i32
      %shift_right_arithmetic3A_485 = vector.broadcast %shift_right_arithmetic3A_484 : i32 to vector<16xi32>
      %shift_right_arithmetic3A_486 = arith.shrsi %get3A_483, %shift_right_arithmetic3A_485 : vector<16xi32>
      %eq3A_487 = arith.cmpi eq, %shift_right_arithmetic3A_486, %add3A_223 : vector<16xi32>
      %and3A_488 = arith.constant 511 : i32
      %and3A_489 = vector.broadcast %and3A_488 : i32 to vector<16xi32>
      %and3A_490 = arith.andi %get3A_483, %and3A_489 : vector<16xi32>
      tpu.vector_store_idx %arg8[%and3A_490], %broadcast_in_dim3A_21 masked %eq3A_487 {add = true} : memref<2048xi32, #tpu.memory_space<vmem>>[vector<16xi32>], vector<16xi32>, vector<16xi1>
      %scan3A_491 = arith.constant 0 : i32
      scf.yield %scan3A_491 : i32
    }
    %scan3A_230 = arith.constant 2496 : i32
    %scan3A_231 = arith.addi %scan3A_225, %scan3A_230 : i32
    %mul3A_232 = arith.constant 16 : i32
    %mul3A_233 = arith.muli %scan3A_231, %mul3A_232 : i32
    %get3A_234 = arith.index_cast %mul3A_233 : i32 to index
    %get3A_235 = tpu.vector_load %arg7[%get3A_234] {strides = array<i32>} : memref<40000xi32, #tpu.memory_space<vmem>>, vector<16xi32>,
    %shift_right_arithmetic3A_236 = arith.constant 9 : i32
    %shift_right_arithmetic3A_237 = vector.broadcast %shift_right_arithmetic3A_236 : i32 to vector<16xi32>
    %shift_right_arithmetic3A_238 = arith.shrsi %get3A_235, %shift_right_arithmetic3A_237 : vector<16xi32>
    %eq3A_239 = arith.cmpi eq, %shift_right_arithmetic3A_238, %add3A_223 : vector<16xi32>
    %and3A_240 = arith.constant 511 : i32
    %and3A_241 = vector.broadcast %and3A_240 : i32 to vector<16xi32>
    %and3A_242 = arith.andi %get3A_235, %and3A_241 : vector<16xi32>
    tpu.vector_store_idx %arg8[%and3A_242], %broadcast_in_dim3A_21 masked %eq3A_239 {add = true} : memref<2048xi32, #tpu.memory_space<vmem>>[vector<16xi32>], vector<16xi32>, vector<16xi1>
    %scan3A_243 = arith.constant 0 : i32
    %scan3A_244 = arith.constant 2497 : i32
    %scan3A_245 = arith.addi %scan3A_225, %scan3A_244 : i32
    %mul3A_246 = arith.constant 16 : i32
    %mul3A_247 = arith.muli %scan3A_245, %mul3A_246 : i32
    %get3A_248 = arith.index_cast %mul3A_247 : i32 to index
    %get3A_249 = tpu.vector_load %arg7[%get3A_248] {strides = array<i32>} : memref<40000xi32, #tpu.memory_space<vmem>>, vector<16xi32>,
    %shift_right_arithmetic3A_250 = arith.constant 9 : i32
    %shift_right_arithmetic3A_251 = vector.broadcast %shift_right_arithmetic3A_250 : i32 to vector<16xi32>
    %shift_right_arithmetic3A_252 = arith.shrsi %get3A_249, %shift_right_arithmetic3A_251 : vector<16xi32>
    %eq3A_253 = arith.cmpi eq, %shift_right_arithmetic3A_252, %add3A_223 : vector<16xi32>
    %and3A_254 = arith.constant 511 : i32
    %and3A_255 = vector.broadcast %and3A_254 : i32 to vector<16xi32>
    %and3A_256 = arith.andi %get3A_249, %and3A_255 : vector<16xi32>
    tpu.vector_store_idx %arg8[%and3A_256], %broadcast_in_dim3A_21 masked %eq3A_253 {add = true} : memref<2048xi32, #tpu.memory_space<vmem>>[vector<16xi32>], vector<16xi32>, vector<16xi1>
    %scan3A_257 = arith.constant 0 : i32
    %scan3A_258 = arith.constant 2498 : i32
    %scan3A_259 = arith.addi %scan3A_225, %scan3A_258 : i32
    %mul3A_260 = arith.constant 16 : i32
    %mul3A_261 = arith.muli %scan3A_259, %mul3A_260 : i32
    %get3A_262 = arith.index_cast %mul3A_261 : i32 to index
    %get3A_263 = tpu.vector_load %arg7[%get3A_262] {strides = array<i32>} : memref<40000xi32, #tpu.memory_space<vmem>>, vector<16xi32>,
    %shift_right_arithmetic3A_264 = arith.constant 9 : i32
    %shift_right_arithmetic3A_265 = vector.broadcast %shift_right_arithmetic3A_264 : i32 to vector<16xi32>
    %shift_right_arithmetic3A_266 = arith.shrsi %get3A_263, %shift_right_arithmetic3A_265 : vector<16xi32>
    %eq3A_267 = arith.cmpi eq, %shift_right_arithmetic3A_266, %add3A_223 : vector<16xi32>
    %and3A_268 = arith.constant 511 : i32
    %and3A_269 = vector.broadcast %and3A_268 : i32 to vector<16xi32>
    %and3A_270 = arith.andi %get3A_263, %and3A_269 : vector<16xi32>
    tpu.vector_store_idx %arg8[%and3A_270], %broadcast_in_dim3A_21 masked %eq3A_267 {add = true} : memref<2048xi32, #tpu.memory_space<vmem>>[vector<16xi32>], vector<16xi32>, vector<16xi1>
    %scan3A_271 = arith.constant 0 : i32
    %scan3A_272 = arith.constant 2499 : i32
    %scan3A_273 = arith.addi %scan3A_225, %scan3A_272 : i32
    %mul3A_274 = arith.constant 16 : i32
    %mul3A_275 = arith.muli %scan3A_273, %mul3A_274 : i32
    %get3A_276 = arith.index_cast %mul3A_275 : i32 to index
    %get3A_277 = tpu.vector_load %arg7[%get3A_276] {strides = array<i32>} : memref<40000xi32, #tpu.memory_space<vmem>>, vector<16xi32>,
    %shift_right_arithmetic3A_278 = arith.constant 9 : i32
    %shift_right_arithmetic3A_279 = vector.broadcast %shift_right_arithmetic3A_278 : i32 to vector<16xi32>
    %shift_right_arithmetic3A_280 = arith.shrsi %get3A_277, %shift_right_arithmetic3A_279 : vector<16xi32>
    %eq3A_281 = arith.cmpi eq, %shift_right_arithmetic3A_280, %add3A_223 : vector<16xi32>
    %and3A_282 = arith.constant 511 : i32
    %and3A_283 = vector.broadcast %and3A_282 : i32 to vector<16xi32>
    %and3A_284 = arith.andi %get3A_277, %and3A_283 : vector<16xi32>
    tpu.vector_store_idx %arg8[%and3A_284], %broadcast_in_dim3A_21 masked %eq3A_281 {add = true} : memref<2048xi32, #tpu.memory_space<vmem>>[vector<16xi32>], vector<16xi32>, vector<16xi1>
    %scan3A_285 = arith.constant 0 : i32
    %scan3A_286 = arith.constant 2500 : i32
    "tpu.region"() ({
      %run_scoped3A = tpu.sem_alloc : memref<!tpu.dma_semaphore, #tpu.memory_space<semaphore_mem>>
      %dma_start3A = arith.constant 0 : i32
      %dma_start3A_380 = tpu.memref_slice %arg6[%add3A, %dma_start3A] : memref<32x2048xi32, #tpu.memory_space<hbm>> -> memref<1x2048xi32, #tpu.memory_space<hbm>>
      %dma_start3A_381 = tpu.memref_squeeze %dma_start3A_380 : memref<1x2048xi32, #tpu.memory_space<hbm>> -> memref<2048xi32, #tpu.memory_space<hbm>>
      %dma_start3A_382 = arith.constant 0 : i32
      %dma_start3A_383 = tpu.memref_slice %arg6[%add3A, %dma_start3A_382] : memref<32x2048xi32, #tpu.memory_space<hbm>> -> memref<1x2048xi32, #tpu.memory_space<hbm>>
      %dma_start3A_384 = tpu.memref_squeeze %dma_start3A_383 : memref<1x2048xi32, #tpu.memory_space<hbm>> -> memref<2048xi32, #tpu.memory_space<hbm>>
      tpu.enqueue_dma source(%arg8 : memref<2048xi32, #tpu.memory_space<vmem>>) target(%dma_start3A_384 : memref<2048xi32, #tpu.memory_space<hbm>>) target_semaphore(%run_scoped3A : memref<!tpu.dma_semaphore, #tpu.memory_space<semaphore_mem>>)
      %dma_wait3A = arith.constant 0 : i32
      %dma_wait3A_385 = tpu.memref_slice %arg6[%add3A, %dma_wait3A] : memref<32x2048xi32, #tpu.memory_space<hbm>> -> memref<1x2048xi32, #tpu.memory_space<hbm>>
      %dma_wait3A_386 = tpu.memref_squeeze %dma_wait3A_385 : memref<1x2048xi32, #tpu.memory_space<hbm>> -> memref<2048xi32, #tpu.memory_space<hbm>>
      %dma_wait3A_387 = arith.constant 0 : i32
      %dma_wait3A_388 = tpu.memref_slice %arg6[%add3A, %dma_wait3A_387] : memref<32x2048xi32, #tpu.memory_space<hbm>> -> memref<1x2048xi32, #tpu.memory_space<hbm>>
      %dma_wait3A_389 = tpu.memref_squeeze %dma_wait3A_388 : memref<1x2048xi32, #tpu.memory_space<hbm>> -> memref<2048xi32, #tpu.memory_space<hbm>>
      tpu.wait_dma2 semaphore(%run_scoped3A : memref<!tpu.dma_semaphore, #tpu.memory_space<semaphore_mem>>) src(%arg8 : memref<2048xi32, #tpu.memory_space<vmem>>) dst(%dma_wait3A_389 : memref<2048xi32, #tpu.memory_space<hbm>>)
      tpu.yield
    }) : () -> ()
    %barrier3A_287 = arith.constant 0 : index
    tpu.barrier barrier_id(%barrier3A_287)
    %mul3A_288 = arith.constant 16 : i32
    %mul3A_289 = arith.muli %arg0, %mul3A_288 : i32
    %add3A_290 = arith.addi %mul3A_289, %mul3A_18 : i32
    "tpu.region"() ({
      %run_scoped3A = tpu.sem_alloc : memref<!tpu.dma_semaphore, #tpu.memory_space<semaphore_mem>>
      %dma_start3A = arith.constant 0 : i32
      %dma_start3A_380 = tpu.memref_slice %arg6[%add3A_290, %dma_start3A] : memref<32x2048xi32, #tpu.memory_space<hbm>> -> memref<4x2048xi32, #tpu.memory_space<hbm>>
      %dma_start3A_381 = arith.constant 0 : i32
      %dma_start3A_382 = tpu.memref_slice %arg6[%add3A_290, %dma_start3A_381] : memref<32x2048xi32, #tpu.memory_space<hbm>> -> memref<4x2048xi32, #tpu.memory_space<hbm>>
      tpu.enqueue_dma source(%dma_start3A_382 : memref<4x2048xi32, #tpu.memory_space<hbm>>) target(%arg9 : memref<4x2048xi32, #tpu.memory_space<vmem>>) target_semaphore(%run_scoped3A : memref<!tpu.dma_semaphore, #tpu.memory_space<semaphore_mem>>)
      %dma_wait3A = arith.constant 0 : i32
      %dma_wait3A_383 = tpu.memref_slice %arg6[%add3A_290, %dma_wait3A] : memref<32x2048xi32, #tpu.memory_space<hbm>> -> memref<4x2048xi32, #tpu.memory_space<hbm>>
      %dma_wait3A_384 = arith.constant 0 : i32
      %dma_wait3A_385 = tpu.memref_slice %arg6[%add3A_290, %dma_wait3A_384] : memref<32x2048xi32, #tpu.memory_space<hbm>> -> memref<4x2048xi32, #tpu.memory_space<hbm>>
      tpu.wait_dma2 semaphore(%run_scoped3A : memref<!tpu.dma_semaphore, #tpu.memory_space<semaphore_mem>>) src(%dma_wait3A_385 : memref<4x2048xi32, #tpu.memory_space<hbm>>) dst(%arg9 : memref<4x2048xi32, #tpu.memory_space<vmem>>)
      tpu.yield
    }) : () -> ()
    %barrier3A_291 = arith.constant 0 : index
    tpu.barrier barrier_id(%barrier3A_291)
    %scan3A_292 = arith.constant 0 : i32
    %scan3A_293 = arith.constant 32 : i32
    %scan3A_294 = arith.addi %scan3A_292, %scan3A_293 : i32
    %scan3A_295 = arith.constant 1 : i32
    %scan3A_296:3 = scf.for %scan3A_380 = %scan3A_292 to %scan3A_294 step %scan3A_295 iter_args(%scan3A_381 = %broadcast_in_dim3A_23, %scan3A_382 = %broadcast_in_dim3A_23, %scan3A_383 = %broadcast_in_dim3A_23) -> (vector<16xi32>, vector<16xi32>, vector<16xi32>)  : i32 {
      %sub3A_384 = arith.constant 31 : i32
      %sub3A_385 = arith.subi %sub3A_384, %scan3A_380 : i32
      %mul3A_386 = arith.constant 16 : i32
      %mul3A_387 = arith.muli %sub3A_385, %mul3A_386 : i32
      %get3A_388 = arith.constant 0 : i32
      %get3A_389 = arith.index_cast %get3A_388 : i32 to index
      %get3A_390 = arith.index_cast %mul3A_387 : i32 to index
      %get3A_391 = tpu.vector_load %arg9[%get3A_389, %get3A_390] {strides = array<i32>} : memref<4x2048xi32, #tpu.memory_space<vmem>>, vector<16xi32>,
      %get3A_392 = arith.constant 1 : i32
      %get3A_393 = arith.index_cast %get3A_392 : i32 to index
      %get3A_394 = arith.index_cast %mul3A_387 : i32 to index
      %get3A_395 = tpu.vector_load %arg9[%get3A_393, %get3A_394] {strides = array<i32>} : memref<4x2048xi32, #tpu.memory_space<vmem>>, vector<16xi32>,
      %add3A_396 = arith.addi %get3A_391, %get3A_395 : vector<16xi32>
      %get3A_397 = arith.constant 2 : i32
      %get3A_398 = arith.index_cast %get3A_397 : i32 to index
      %get3A_399 = arith.index_cast %mul3A_387 : i32 to index
      %get3A_400 = tpu.vector_load %arg9[%get3A_398, %get3A_399] {strides = array<i32>} : memref<4x2048xi32, #tpu.memory_space<vmem>>, vector<16xi32>,
      %add3A_401 = arith.addi %add3A_396, %get3A_400 : vector<16xi32>
      %get3A_402 = arith.constant 3 : i32
      %get3A_403 = arith.index_cast %get3A_402 : i32 to index
      %get3A_404 = arith.index_cast %mul3A_387 : i32 to index
      %get3A_405 = tpu.vector_load %arg9[%get3A_403, %get3A_404] {strides = array<i32>} : memref<4x2048xi32, #tpu.memory_space<vmem>>, vector<16xi32>,
      %add3A_406 = arith.addi %add3A_401, %get3A_405 : vector<16xi32>
      %rev3A = arith.constant 15 : i32
      %rev3A_407 = vector.broadcast %rev3A : i32 to vector<16xi32>
      %rev3A_408 = tpu.iota {dimensions = array<i32: 0>} : vector<16xi32>
      %rev3A_409 = arith.subi %rev3A_407, %rev3A_408 : vector<16xi32>
      %rev3A_410 = tpu.dynamic_gather %add3A_406[%rev3A_409] in [0] : vector<16xi32>, vector<16xi32> -> vector<16xi32>
      %broadcast_in_dim3A_411 = arith.constant true
      %broadcast_in_dim3A_412 = vector.broadcast %broadcast_in_dim3A_411 : i1 to vector<16xi1>
      %masked_cumsum3A_413 = tpu.scan <sum>, %rev3A_410 masked %broadcast_in_dim3A_412 : vector<16xi32>, vector<16xi1> -> vector<16xi32>
      %rev3A_414 = arith.constant 15 : i32
      %rev3A_415 = vector.broadcast %rev3A_414 : i32 to vector<16xi32>
      %rev3A_416 = tpu.iota {dimensions = array<i32: 0>} : vector<16xi32>
      %rev3A_417 = arith.subi %rev3A_415, %rev3A_416 : vector<16xi32>
      %rev3A_418 = tpu.dynamic_gather %masked_cumsum3A_413[%rev3A_417] in [0] : vector<16xi32>, vector<16xi32> -> vector<16xi32>
      %add3A_419 = arith.addi %scan3A_381, %rev3A_418 : vector<16xi32>
      %sub3A_420 = arith.subi %add3A_419, %add3A_406 : vector<16xi32>
      %lt3A = arith.cmpi slt, %sub3A_420, %sub3A_212 : vector<16xi32>
      %ge3A = arith.cmpi sge, %add3A_419, %sub3A_212 : vector<16xi32>
      %and3A_421 = arith.andi %lt3A, %ge3A : vector<16xi1>
      %convert_element_type3A = arith.extui %and3A_421 : vector<16xi1> to vector<16xi32>
      %mul3A_422 = arith.constant 16 : i32
      %mul3A_423 = arith.muli %sub3A_385, %mul3A_422 : i32
      %add3A_424 = vector.broadcast %mul3A_423 : i32 to vector<16xi32>
      %add3A_425 = arith.addi %add3A_424, %iota3A : vector<16xi32>
      %mul3A_426 = arith.muli %convert_element_type3A, %add3A_425 : vector<16xi32>
      %add3A_427 = arith.addi %scan3A_382, %mul3A_426 : vector<16xi32>
      %mul3A_428 = arith.muli %convert_element_type3A, %sub3A_420 : vector<16xi32>
      %add3A_429 = arith.addi %scan3A_383, %mul3A_428 : vector<16xi32>
      %broadcast_in_dim3A_430 = arith.constant 0 : i32
      %broadcast_in_dim3A_431 = vector.broadcast %broadcast_in_dim3A_430 : i32 to vector<16xi32>
      %broadcast_in_dim3A_432 = vector.shape_cast %broadcast_in_dim3A_431 : vector<16xi32> to vector<16x1xi32>
      %gather3A_433 = vector.shape_cast %broadcast_in_dim3A_432 : vector<16x1xi32> to vector<16xi32>
      %gather3A_434 = tpu.dynamic_gather %rev3A_418[%gather3A_433] in [0] : vector<16xi32>, vector<16xi32> -> vector<16xi32>
      %add3A_435 = arith.addi %scan3A_381, %gather3A_434 : vector<16xi32>
      scf.yield %add3A_435, %add3A_427, %add3A_429 : vector<16xi32>, vector<16xi32>, vector<16xi32>
    }
    %scan3A_297 = arith.constant 32 : i32
    %broadcast_in_dim3A_298 = arith.constant true
    %broadcast_in_dim3A_299 = vector.broadcast %broadcast_in_dim3A_298 : i1 to vector<16xi1>
    %masked_cumsum3A_300 = tpu.scan <sum>, %scan3A_296#1 masked %broadcast_in_dim3A_299 : vector<16xi32>, vector<16xi1> -> vector<16xi32>
    %broadcast_in_dim3A_301 = arith.constant 15 : i32
    %broadcast_in_dim3A_302 = vector.broadcast %broadcast_in_dim3A_301 : i32 to vector<16xi32>
    %broadcast_in_dim3A_303 = vector.shape_cast %broadcast_in_dim3A_302 : vector<16xi32> to vector<16x1xi32>
    %gather3A_304 = vector.shape_cast %broadcast_in_dim3A_303 : vector<16x1xi32> to vector<16xi32>
    %gather3A_305 = tpu.dynamic_gather %masked_cumsum3A_300[%gather3A_304] in [0] : vector<16xi32>, vector<16xi32> -> vector<16xi32>
    %broadcast_in_dim3A_306 = arith.constant true
    %broadcast_in_dim3A_307 = vector.broadcast %broadcast_in_dim3A_306 : i1 to vector<16xi1>
    %masked_cumsum3A_308 = tpu.scan <sum>, %scan3A_296#2 masked %broadcast_in_dim3A_307 : vector<16xi32>, vector<16xi1> -> vector<16xi32>
    %broadcast_in_dim3A_309 = arith.constant 15 : i32
    %broadcast_in_dim3A_310 = vector.broadcast %broadcast_in_dim3A_309 : i32 to vector<16xi32>
    %broadcast_in_dim3A_311 = vector.shape_cast %broadcast_in_dim3A_310 : vector<16xi32> to vector<16x1xi32>
    %gather3A_312 = vector.shape_cast %broadcast_in_dim3A_311 : vector<16x1xi32> to vector<16xi32>
    %gather3A_313 = tpu.dynamic_gather %masked_cumsum3A_308[%gather3A_312] in [0] : vector<16xi32>, vector<16xi32> -> vector<16xi32>
    %sub3A_314 = arith.subi %sub3A_212, %gather3A_313 : vector<16xi32>
    %mul3A_315 = arith.constant 1048576 : i32
    %mul3A_316 = vector.broadcast %mul3A_315 : i32 to vector<16xi32>
    %mul3A_317 = arith.muli %gather3A_94, %mul3A_316 : vector<16xi32>
    %mul3A_318 = arith.constant 512 : i32
    %mul3A_319 = vector.broadcast %mul3A_318 : i32 to vector<16xi32>
    %mul3A_320 = arith.muli %gather3A_203, %mul3A_319 : vector<16xi32>
    %add3A_321 = arith.addi %mul3A_317, %mul3A_320 : vector<16xi32>
    %add3A_322 = arith.addi %add3A_321, %gather3A_305 : vector<16xi32>
    %scan3A_323 = arith.constant 0 : i32
    %scan3A_324 = arith.constant 2496 : i32
    %scan3A_325 = arith.addi %scan3A_323, %scan3A_324 : i32
    %scan3A_326 = arith.constant 8 : i32
    %scan3A_327 = scf.for %scan3A_380 = %scan3A_323 to %scan3A_325 step %scan3A_326 iter_args(%scan3A_381 = %broadcast_in_dim3A_25) -> (vector<16xf32>)  : i32 {
      %mul3A_382 = arith.constant 16 : i32
      %mul3A_383 = arith.muli %scan3A_380, %mul3A_382 : i32
      %get3A_384 = arith.index_cast %mul3A_383 : i32 to index
      %get3A_385 = tpu.vector_load %arg7[%get3A_384] {strides = array<i32>} : memref<40000xi32, #tpu.memory_space<vmem>>, vector<16xi32>,
      %gt3A_386 = arith.cmpi sgt, %get3A_385, %add3A_322 : vector<16xi32>
      %bitcast3A_387 = vector.bitcast %get3A_385 : vector<16xi32> to vector<16xf32>
      %jit3A_388 = arith.constant 0.000000e+00 : f32
      %broadcast_in_dim3A_389 = vector.broadcast %jit3A_388 : f32 to vector<16xf32>
      %select_n3A_390 = arith.select %gt3A_386, %bitcast3A_387, %broadcast_in_dim3A_389 : vector<16xi1>, vector<16xf32>
      %add3A_391 = arith.addf %scan3A_381, %select_n3A_390 : vector<16xf32>
      %scan3A_392 = arith.constant 1 : i32
      %scan3A_393 = arith.addi %scan3A_380, %scan3A_392 : i32
      %mul3A_394 = arith.constant 16 : i32
      %mul3A_395 = arith.muli %scan3A_393, %mul3A_394 : i32
      %get3A_396 = arith.index_cast %mul3A_395 : i32 to index
      %get3A_397 = tpu.vector_load %arg7[%get3A_396] {strides = array<i32>} : memref<40000xi32, #tpu.memory_space<vmem>>, vector<16xi32>,
      %gt3A_398 = arith.cmpi sgt, %get3A_397, %add3A_322 : vector<16xi32>
      %bitcast3A_399 = vector.bitcast %get3A_397 : vector<16xi32> to vector<16xf32>
      %jit3A_400 = arith.constant 0.000000e+00 : f32
      %broadcast_in_dim3A_401 = vector.broadcast %jit3A_400 : f32 to vector<16xf32>
      %select_n3A_402 = arith.select %gt3A_398, %bitcast3A_399, %broadcast_in_dim3A_401 : vector<16xi1>, vector<16xf32>
      %add3A_403 = arith.addf %add3A_391, %select_n3A_402 : vector<16xf32>
      %scan3A_404 = arith.constant 2 : i32
      %scan3A_405 = arith.addi %scan3A_380, %scan3A_404 : i32
      %mul3A_406 = arith.constant 16 : i32
      %mul3A_407 = arith.muli %scan3A_405, %mul3A_406 : i32
      %get3A_408 = arith.index_cast %mul3A_407 : i32 to index
      %get3A_409 = tpu.vector_load %arg7[%get3A_408] {strides = array<i32>} : memref<40000xi32, #tpu.memory_space<vmem>>, vector<16xi32>,
      %gt3A_410 = arith.cmpi sgt, %get3A_409, %add3A_322 : vector<16xi32>
      %bitcast3A_411 = vector.bitcast %get3A_409 : vector<16xi32> to vector<16xf32>
      %jit3A_412 = arith.constant 0.000000e+00 : f32
      %broadcast_in_dim3A_413 = vector.broadcast %jit3A_412 : f32 to vector<16xf32>
      %select_n3A_414 = arith.select %gt3A_410, %bitcast3A_411, %broadcast_in_dim3A_413 : vector<16xi1>, vector<16xf32>
      %add3A_415 = arith.addf %add3A_403, %select_n3A_414 : vector<16xf32>
      %scan3A_416 = arith.constant 3 : i32
      %scan3A_417 = arith.addi %scan3A_380, %scan3A_416 : i32
      %mul3A_418 = arith.constant 16 : i32
      %mul3A_419 = arith.muli %scan3A_417, %mul3A_418 : i32
      %get3A_420 = arith.index_cast %mul3A_419 : i32 to index
      %get3A_421 = tpu.vector_load %arg7[%get3A_420] {strides = array<i32>} : memref<40000xi32, #tpu.memory_space<vmem>>, vector<16xi32>,
      %gt3A_422 = arith.cmpi sgt, %get3A_421, %add3A_322 : vector<16xi32>
      %bitcast3A_423 = vector.bitcast %get3A_421 : vector<16xi32> to vector<16xf32>
      %jit3A_424 = arith.constant 0.000000e+00 : f32
      %broadcast_in_dim3A_425 = vector.broadcast %jit3A_424 : f32 to vector<16xf32>
      %select_n3A_426 = arith.select %gt3A_422, %bitcast3A_423, %broadcast_in_dim3A_425 : vector<16xi1>, vector<16xf32>
      %add3A_427 = arith.addf %add3A_415, %select_n3A_426 : vector<16xf32>
      %scan3A_428 = arith.constant 4 : i32
      %scan3A_429 = arith.addi %scan3A_380, %scan3A_428 : i32
      %mul3A_430 = arith.constant 16 : i32
      %mul3A_431 = arith.muli %scan3A_429, %mul3A_430 : i32
      %get3A_432 = arith.index_cast %mul3A_431 : i32 to index
      %get3A_433 = tpu.vector_load %arg7[%get3A_432] {strides = array<i32>} : memref<40000xi32, #tpu.memory_space<vmem>>, vector<16xi32>,
      %gt3A_434 = arith.cmpi sgt, %get3A_433, %add3A_322 : vector<16xi32>
      %bitcast3A_435 = vector.bitcast %get3A_433 : vector<16xi32> to vector<16xf32>
      %jit3A_436 = arith.constant 0.000000e+00 : f32
      %broadcast_in_dim3A_437 = vector.broadcast %jit3A_436 : f32 to vector<16xf32>
      %select_n3A_438 = arith.select %gt3A_434, %bitcast3A_435, %broadcast_in_dim3A_437 : vector<16xi1>, vector<16xf32>
      %add3A_439 = arith.addf %add3A_427, %select_n3A_438 : vector<16xf32>
      %scan3A_440 = arith.constant 5 : i32
      %scan3A_441 = arith.addi %scan3A_380, %scan3A_440 : i32
      %mul3A_442 = arith.constant 16 : i32
      %mul3A_443 = arith.muli %scan3A_441, %mul3A_442 : i32
      %get3A_444 = arith.index_cast %mul3A_443 : i32 to index
      %get3A_445 = tpu.vector_load %arg7[%get3A_444] {strides = array<i32>} : memref<40000xi32, #tpu.memory_space<vmem>>, vector<16xi32>,
      %gt3A_446 = arith.cmpi sgt, %get3A_445, %add3A_322 : vector<16xi32>
      %bitcast3A_447 = vector.bitcast %get3A_445 : vector<16xi32> to vector<16xf32>
      %jit3A_448 = arith.constant 0.000000e+00 : f32
      %broadcast_in_dim3A_449 = vector.broadcast %jit3A_448 : f32 to vector<16xf32>
      %select_n3A_450 = arith.select %gt3A_446, %bitcast3A_447, %broadcast_in_dim3A_449 : vector<16xi1>, vector<16xf32>
      %add3A_451 = arith.addf %add3A_439, %select_n3A_450 : vector<16xf32>
      %scan3A_452 = arith.constant 6 : i32
      %scan3A_453 = arith.addi %scan3A_380, %scan3A_452 : i32
      %mul3A_454 = arith.constant 16 : i32
      %mul3A_455 = arith.muli %scan3A_453, %mul3A_454 : i32
      %get3A_456 = arith.index_cast %mul3A_455 : i32 to index
      %get3A_457 = tpu.vector_load %arg7[%get3A_456] {strides = array<i32>} : memref<40000xi32, #tpu.memory_space<vmem>>, vector<16xi32>,
      %gt3A_458 = arith.cmpi sgt, %get3A_457, %add3A_322 : vector<16xi32>
      %bitcast3A_459 = vector.bitcast %get3A_457 : vector<16xi32> to vector<16xf32>
      %jit3A_460 = arith.constant 0.000000e+00 : f32
      %broadcast_in_dim3A_461 = vector.broadcast %jit3A_460 : f32 to vector<16xf32>
      %select_n3A_462 = arith.select %gt3A_458, %bitcast3A_459, %broadcast_in_dim3A_461 : vector<16xi1>, vector<16xf32>
      %add3A_463 = arith.addf %add3A_451, %select_n3A_462 : vector<16xf32>
      %scan3A_464 = arith.constant 7 : i32
      %scan3A_465 = arith.addi %scan3A_380, %scan3A_464 : i32
      %mul3A_466 = arith.constant 16 : i32
      %mul3A_467 = arith.muli %scan3A_465, %mul3A_466 : i32
      %get3A_468 = arith.index_cast %mul3A_467 : i32 to index
      %get3A_469 = tpu.vector_load %arg7[%get3A_468] {strides = array<i32>} : memref<40000xi32, #tpu.memory_space<vmem>>, vector<16xi32>,
      %gt3A_470 = arith.cmpi sgt, %get3A_469, %add3A_322 : vector<16xi32>
      %bitcast3A_471 = vector.bitcast %get3A_469 : vector<16xi32> to vector<16xf32>
      %jit3A_472 = arith.constant 0.000000e+00 : f32
      %broadcast_in_dim3A_473 = vector.broadcast %jit3A_472 : f32 to vector<16xf32>
      %select_n3A_474 = arith.select %gt3A_470, %bitcast3A_471, %broadcast_in_dim3A_473 : vector<16xi1>, vector<16xf32>
      %add3A_475 = arith.addf %add3A_463, %select_n3A_474 : vector<16xf32>
      scf.yield %add3A_475 : vector<16xf32>
    }
    %scan3A_328 = arith.constant 2496 : i32
    %scan3A_329 = arith.addi %scan3A_323, %scan3A_328 : i32
    %mul3A_330 = arith.constant 16 : i32
    %mul3A_331 = arith.muli %scan3A_329, %mul3A_330 : i32
    %get3A_332 = arith.index_cast %mul3A_331 : i32 to index
    %get3A_333 = tpu.vector_load %arg7[%get3A_332] {strides = array<i32>} : memref<40000xi32, #tpu.memory_space<vmem>>, vector<16xi32>,
    %gt3A = arith.cmpi sgt, %get3A_333, %add3A_322 : vector<16xi32>
    %bitcast3A = vector.bitcast %get3A_333 : vector<16xi32> to vector<16xf32>
    %jit3A_334 = arith.constant 0.000000e+00 : f32
    %broadcast_in_dim3A_335 = vector.broadcast %jit3A_334 : f32 to vector<16xf32>
    %select_n3A_336 = arith.select %gt3A, %bitcast3A, %broadcast_in_dim3A_335 : vector<16xi1>, vector<16xf32>
    %add3A_337 = arith.addf %scan3A_327, %select_n3A_336 : vector<16xf32>
    %scan3A_338 = arith.constant 2497 : i32
    %scan3A_339 = arith.addi %scan3A_323, %scan3A_338 : i32
    %mul3A_340 = arith.constant 16 : i32
    %mul3A_341 = arith.muli %scan3A_339, %mul3A_340 : i32
    %get3A_342 = arith.index_cast %mul3A_341 : i32 to index
    %get3A_343 = tpu.vector_load %arg7[%get3A_342] {strides = array<i32>} : memref<40000xi32, #tpu.memory_space<vmem>>, vector<16xi32>,
    %gt3A_344 = arith.cmpi sgt, %get3A_343, %add3A_322 : vector<16xi32>
    %bitcast3A_345 = vector.bitcast %get3A_343 : vector<16xi32> to vector<16xf32>
    %jit3A_346 = arith.constant 0.000000e+00 : f32
    %broadcast_in_dim3A_347 = vector.broadcast %jit3A_346 : f32 to vector<16xf32>
    %select_n3A_348 = arith.select %gt3A_344, %bitcast3A_345, %broadcast_in_dim3A_347 : vector<16xi1>, vector<16xf32>
    %add3A_349 = arith.addf %add3A_337, %select_n3A_348 : vector<16xf32>
    %scan3A_350 = arith.constant 2498 : i32
    %scan3A_351 = arith.addi %scan3A_323, %scan3A_350 : i32
    %mul3A_352 = arith.constant 16 : i32
    %mul3A_353 = arith.muli %scan3A_351, %mul3A_352 : i32
    %get3A_354 = arith.index_cast %mul3A_353 : i32 to index
    %get3A_355 = tpu.vector_load %arg7[%get3A_354] {strides = array<i32>} : memref<40000xi32, #tpu.memory_space<vmem>>, vector<16xi32>,
    %gt3A_356 = arith.cmpi sgt, %get3A_355, %add3A_322 : vector<16xi32>
    %bitcast3A_357 = vector.bitcast %get3A_355 : vector<16xi32> to vector<16xf32>
    %jit3A_358 = arith.constant 0.000000e+00 : f32
    %broadcast_in_dim3A_359 = vector.broadcast %jit3A_358 : f32 to vector<16xf32>
    %select_n3A_360 = arith.select %gt3A_356, %bitcast3A_357, %broadcast_in_dim3A_359 : vector<16xi1>, vector<16xf32>
    %add3A_361 = arith.addf %add3A_349, %select_n3A_360 : vector<16xf32>
    %scan3A_362 = arith.constant 2499 : i32
    %scan3A_363 = arith.addi %scan3A_323, %scan3A_362 : i32
    %mul3A_364 = arith.constant 16 : i32
    %mul3A_365 = arith.muli %scan3A_363, %mul3A_364 : i32
    %get3A_366 = arith.index_cast %mul3A_365 : i32 to index
    %get3A_367 = tpu.vector_load %arg7[%get3A_366] {strides = array<i32>} : memref<40000xi32, #tpu.memory_space<vmem>>, vector<16xi32>,
    %gt3A_368 = arith.cmpi sgt, %get3A_367, %add3A_322 : vector<16xi32>
    %bitcast3A_369 = vector.bitcast %get3A_367 : vector<16xi32> to vector<16xf32>
    %jit3A_370 = arith.constant 0.000000e+00 : f32
    %broadcast_in_dim3A_371 = vector.broadcast %jit3A_370 : f32 to vector<16xf32>
    %select_n3A_372 = arith.select %gt3A_368, %bitcast3A_369, %broadcast_in_dim3A_371 : vector<16xi1>, vector<16xf32>
    %add3A_373 = arith.addf %add3A_361, %select_n3A_372 : vector<16xf32>
    %scan3A_374 = arith.constant 2500 : i32
    %swap3A = arith.constant 0 : index
    %swap3A_375 = tpu.vector_load %arg10[%swap3A] {strides = array<i32>} : memref<16xi32, #tpu.memory_space<vmem>>, vector<16xi32>,
    tpu.vector_store %arg10[%swap3A], %add3A_322 {strides = array<i32>} : memref<16xi32, #tpu.memory_space<vmem>>, vector<16xi32>,
    "tpu.region"() ({
      %run_scoped3A = tpu.sem_alloc : memref<!tpu.dma_semaphore, #tpu.memory_space<semaphore_mem>>
      %dma_start3A = arith.constant 0 : i32
      %dma_start3A_380 = tpu.memref_slice %arg5[%add3A, %dma_start3A] : memref<32x16xi32, #tpu.memory_space<hbm>> -> memref<1x16xi32, #tpu.memory_space<hbm>>
      %dma_start3A_381 = tpu.memref_squeeze %dma_start3A_380 : memref<1x16xi32, #tpu.memory_space<hbm>> -> memref<16xi32, #tpu.memory_space<hbm>>
      %dma_start3A_382 = arith.constant 0 : i32
      %dma_start3A_383 = tpu.memref_slice %arg5[%add3A, %dma_start3A_382] : memref<32x16xi32, #tpu.memory_space<hbm>> -> memref<1x16xi32, #tpu.memory_space<hbm>>
      %dma_start3A_384 = tpu.memref_squeeze %dma_start3A_383 : memref<1x16xi32, #tpu.memory_space<hbm>> -> memref<16xi32, #tpu.memory_space<hbm>>
      tpu.enqueue_dma source(%arg10 : memref<16xi32, #tpu.memory_space<vmem>>) target(%dma_start3A_384 : memref<16xi32, #tpu.memory_space<hbm>>) target_semaphore(%run_scoped3A : memref<!tpu.dma_semaphore, #tpu.memory_space<semaphore_mem>>)
      %dma_wait3A = arith.constant 0 : i32
      %dma_wait3A_385 = tpu.memref_slice %arg5[%add3A, %dma_wait3A] : memref<32x16xi32, #tpu.memory_space<hbm>> -> memref<1x16xi32, #tpu.memory_space<hbm>>
      %dma_wait3A_386 = tpu.memref_squeeze %dma_wait3A_385 : memref<1x16xi32, #tpu.memory_space<hbm>> -> memref<16xi32, #tpu.memory_space<hbm>>
      %dma_wait3A_387 = arith.constant 0 : i32
      %dma_wait3A_388 = tpu.memref_slice %arg5[%add3A, %dma_wait3A_387] : memref<32x16xi32, #tpu.memory_space<hbm>> -> memref<1x16xi32, #tpu.memory_space<hbm>>
      %dma_wait3A_389 = tpu.memref_squeeze %dma_wait3A_388 : memref<1x16xi32, #tpu.memory_space<hbm>> -> memref<16xi32, #tpu.memory_space<hbm>>
      tpu.wait_dma2 semaphore(%run_scoped3A : memref<!tpu.dma_semaphore, #tpu.memory_space<semaphore_mem>>) src(%arg10 : memref<16xi32, #tpu.memory_space<vmem>>) dst(%dma_wait3A_389 : memref<16xi32, #tpu.memory_space<hbm>>)
      tpu.yield
    }) : () -> ()
    %swap3A_376 = arith.constant 0 : index
    %swap3A_377 = tpu.vector_load %arg10[%swap3A_376] {strides = array<i32>} : memref<16xi32, #tpu.memory_space<vmem>>, vector<16xi32>,
    tpu.vector_store %arg10[%swap3A_376], %sub3A_314 {strides = array<i32>} : memref<16xi32, #tpu.memory_space<vmem>>, vector<16xi32>,
    "tpu.region"() ({
      %run_scoped3A = tpu.sem_alloc : memref<!tpu.dma_semaphore, #tpu.memory_space<semaphore_mem>>
      %dma_start3A = arith.constant 0 : i32
      %dma_start3A_380 = tpu.memref_slice %arg4[%add3A, %dma_start3A] : memref<32x16xi32, #tpu.memory_space<hbm>> -> memref<1x16xi32, #tpu.memory_space<hbm>>
      %dma_start3A_381 = tpu.memref_squeeze %dma_start3A_380 : memref<1x16xi32, #tpu.memory_space<hbm>> -> memref<16xi32, #tpu.memory_space<hbm>>
      %dma_start3A_382 = arith.constant 0 : i32
      %dma_start3A_383 = tpu.memref_slice %arg4[%add3A, %dma_start3A_382] : memref<32x16xi32, #tpu.memory_space<hbm>> -> memref<1x16xi32, #tpu.memory_space<hbm>>
      %dma_start3A_384 = tpu.memref_squeeze %dma_start3A_383 : memref<1x16xi32, #tpu.memory_space<hbm>> -> memref<16xi32, #tpu.memory_space<hbm>>
      tpu.enqueue_dma source(%arg10 : memref<16xi32, #tpu.memory_space<vmem>>) target(%dma_start3A_384 : memref<16xi32, #tpu.memory_space<hbm>>) target_semaphore(%run_scoped3A : memref<!tpu.dma_semaphore, #tpu.memory_space<semaphore_mem>>)
      %dma_wait3A = arith.constant 0 : i32
      %dma_wait3A_385 = tpu.memref_slice %arg4[%add3A, %dma_wait3A] : memref<32x16xi32, #tpu.memory_space<hbm>> -> memref<1x16xi32, #tpu.memory_space<hbm>>
      %dma_wait3A_386 = tpu.memref_squeeze %dma_wait3A_385 : memref<1x16xi32, #tpu.memory_space<hbm>> -> memref<16xi32, #tpu.memory_space<hbm>>
      %dma_wait3A_387 = arith.constant 0 : i32
      %dma_wait3A_388 = tpu.memref_slice %arg4[%add3A, %dma_wait3A_387] : memref<32x16xi32, #tpu.memory_space<hbm>> -> memref<1x16xi32, #tpu.memory_space<hbm>>
      %dma_wait3A_389 = tpu.memref_squeeze %dma_wait3A_388 : memref<1x16xi32, #tpu.memory_space<hbm>> -> memref<16xi32, #tpu.memory_space<hbm>>
      tpu.wait_dma2 semaphore(%run_scoped3A : memref<!tpu.dma_semaphore, #tpu.memory_space<semaphore_mem>>) src(%arg10 : memref<16xi32, #tpu.memory_space<vmem>>) dst(%dma_wait3A_389 : memref<16xi32, #tpu.memory_space<hbm>>)
      tpu.yield
    }) : () -> ()
    %swap3A_378 = arith.constant 0 : index
    %swap3A_379 = tpu.vector_load %arg11[%swap3A_378] {strides = array<i32>} : memref<16xf32, #tpu.memory_space<vmem>>, vector<16xf32>,
    tpu.vector_store %arg11[%swap3A_378], %add3A_373 {strides = array<i32>} : memref<16xf32, #tpu.memory_space<vmem>>, vector<16xf32>,
    "tpu.region"() ({
      %run_scoped3A = tpu.sem_alloc : memref<!tpu.dma_semaphore, #tpu.memory_space<semaphore_mem>>
      %dma_start3A = arith.constant 0 : i32
      %dma_start3A_380 = tpu.memref_slice %arg3[%add3A, %dma_start3A] : memref<32x16xf32, #tpu.memory_space<hbm>> -> memref<1x16xf32, #tpu.memory_space<hbm>>
      %dma_start3A_381 = tpu.memref_squeeze %dma_start3A_380 : memref<1x16xf32, #tpu.memory_space<hbm>> -> memref<16xf32, #tpu.memory_space<hbm>>
      %dma_start3A_382 = arith.constant 0 : i32
      %dma_start3A_383 = tpu.memref_slice %arg3[%add3A, %dma_start3A_382] : memref<32x16xf32, #tpu.memory_space<hbm>> -> memref<1x16xf32, #tpu.memory_space<hbm>>
      %dma_start3A_384 = tpu.memref_squeeze %dma_start3A_383 : memref<1x16xf32, #tpu.memory_space<hbm>> -> memref<16xf32, #tpu.memory_space<hbm>>
      tpu.enqueue_dma source(%arg11 : memref<16xf32, #tpu.memory_space<vmem>>) target(%dma_start3A_384 : memref<16xf32, #tpu.memory_space<hbm>>) target_semaphore(%run_scoped3A : memref<!tpu.dma_semaphore, #tpu.memory_space<semaphore_mem>>)
      %dma_wait3A = arith.constant 0 : i32
      %dma_wait3A_385 = tpu.memref_slice %arg3[%add3A, %dma_wait3A] : memref<32x16xf32, #tpu.memory_space<hbm>> -> memref<1x16xf32, #tpu.memory_space<hbm>>
      %dma_wait3A_386 = tpu.memref_squeeze %dma_wait3A_385 : memref<1x16xf32, #tpu.memory_space<hbm>> -> memref<16xf32, #tpu.memory_space<hbm>>
      %dma_wait3A_387 = arith.constant 0 : i32
      %dma_wait3A_388 = tpu.memref_slice %arg3[%add3A, %dma_wait3A_387] : memref<32x16xf32, #tpu.memory_space<hbm>> -> memref<1x16xf32, #tpu.memory_space<hbm>>
      %dma_wait3A_389 = tpu.memref_squeeze %dma_wait3A_388 : memref<1x16xf32, #tpu.memory_space<hbm>> -> memref<16xf32, #tpu.memory_space<hbm>>
      tpu.wait_dma2 semaphore(%run_scoped3A : memref<!tpu.dma_semaphore, #tpu.memory_space<semaphore_mem>>) src(%arg11 : memref<16xf32, #tpu.memory_space<vmem>>) dst(%dma_wait3A_389 : memref<16xf32, #tpu.memory_space<hbm>>)
      tpu.yield
    }) : () -> ()
    return
  }
}

module attributes {stable_mosaic.version = 14 : i64} {
  func.func @_ce_body(%arg0: i32, %arg1: i32, %arg2: memref<1x1x2x400x400xf32, #tpu.memory_space<vmem>>, %arg3: memref<1x1x400x400xi32, #tpu.memory_space<vmem>>, %arg4: memref<3x2xf32, #tpu.memory_space<smem>>, %arg5: memref<1x1x400x400xi32, #tpu.memory_space<vmem>>) attributes {dimension_semantics = [#tpu.dimension_semantics<arbitrary>, #tpu.dimension_semantics<arbitrary>], iteration_bounds = array<i64: 2, 4>, scalar_prefetch = 0 : i64, scratch_operands = 0 : i64, tpu.core_type = #tpu.core_type<tc>, window_params = [{transform_indices = @transform_0, window_bounds = array<i64: 1, 1, 2, 400, 400>}, {transform_indices = @transform_1, window_bounds = array<i64: 1, 1, 400, 400>}, {transform_indices = @transform_2, window_bounds = array<i64: 3, 2>}, {transform_indices = @transform_3, window_bounds = array<i64: 1, 1, 400, 400>}]} {
    %get3A = arith.constant 0 : index
    %get3A_0 = arith.constant 0 : index
    %get3A_1 = arith.constant 0 : index
    %get3A_2 = arith.constant 0 : index
    %get3A_3 = arith.constant 0 : index
    %get3A_4 = vector.load %arg2[%get3A, %get3A_0, %get3A_1, %get3A_2, %get3A_3] : memref<1x1x2x400x400xf32, #tpu.memory_space<vmem>>, vector<1x1x1x400x400xf32>
    %get3A_5 = vector.shape_cast %get3A_4 : vector<1x1x1x400x400xf32> to vector<400x400xf32>
    %get3A_6 = arith.constant 0 : index
    %get3A_7 = arith.constant 0 : index
    %get3A_8 = arith.constant 1 : index
    %get3A_9 = arith.constant 0 : index
    %get3A_10 = arith.constant 0 : index
    %get3A_11 = vector.load %arg2[%get3A_6, %get3A_7, %get3A_8, %get3A_9, %get3A_10] : memref<1x1x2x400x400xf32, #tpu.memory_space<vmem>>, vector<1x1x1x400x400xf32>
    %get3A_12 = vector.shape_cast %get3A_11 : vector<1x1x1x400x400xf32> to vector<400x400xf32>
    %get3A_13 = arith.constant 0 : index
    %get3A_14 = arith.constant 0 : index
    %get3A_15 = arith.constant 0 : index
    %get3A_16 = arith.constant 0 : index
    %get3A_17 = vector.load %arg3[%get3A_13, %get3A_14, %get3A_15, %get3A_16] : memref<1x1x400x400xi32, #tpu.memory_space<vmem>>, vector<1x1x400x400xi32>
    %get3A_18 = vector.shape_cast %get3A_17 : vector<1x1x400x400xi32> to vector<400x400xi32>
    %ne3A = arith.constant 255 : i32
    %ne3A_19 = vector.broadcast %ne3A : i32 to vector<400x400xi32>
    %ne3A_20 = arith.cmpi ne, %get3A_18, %ne3A_19 : vector<400x400xi32>
    %eq3A = arith.constant 1 : i32
    %eq3A_21 = vector.broadcast %eq3A : i32 to vector<400x400xi32>
    %eq3A_22 = arith.cmpi eq, %get3A_18, %eq3A_21 : vector<400x400xi32>
    %sub3A = arith.subf %get3A_5, %get3A_12 : vector<400x400xf32>
    %sub3A_23 = arith.subf %get3A_12, %get3A_5 : vector<400x400xf32>
    %select_n3A = arith.select %eq3A_22, %sub3A, %sub3A_23 : vector<400x400xi1>, vector<400x400xf32>
    %max3A = arith.constant 0.000000e+00 : f32
    %max3A_24 = vector.broadcast %max3A : f32 to vector<400x400xf32>
    %max3A_25 = arith.maximumf %select_n3A, %max3A_24 : vector<400x400xf32>
    %abs3A = math.absf %select_n3A : vector<400x400xf32>
    %neg3A = arith.constant 0.000000e+00 : f32
    %neg3A_26 = vector.broadcast %neg3A : f32 to vector<400x400xf32>
    %neg3A_27 = arith.subf %neg3A_26, %abs3A : vector<400x400xf32>
    %exp3A = math.exp %neg3A_27 : vector<400x400xf32>
    %add3A = arith.constant 1.000000e+00 : f32
    %add3A_28 = vector.broadcast %add3A : f32 to vector<400x400xf32>
    %add3A_29 = arith.addf %add3A_28, %exp3A : vector<400x400xf32>
    %log3A = math.log %add3A_29 : vector<400x400xf32>
    %add3A_30 = arith.addf %max3A_25, %log3A : vector<400x400xf32>
    %get3A_31 = arith.index_cast %arg0 : i32 to index
    %get3A_32 = arith.constant 1 : index
    %get3A_33 = memref.load %arg4[%get3A_31, %get3A_32] : memref<3x2xf32, #tpu.memory_space<smem>>
    %get3A_34 = arith.index_cast %arg0 : i32 to index
    %get3A_35 = arith.constant 0 : index
    %get3A_36 = memref.load %arg4[%get3A_34, %get3A_35] : memref<3x2xf32, #tpu.memory_space<smem>>
    %broadcast_in_dim3A = vector.broadcast %get3A_33 : f32 to vector<400x400xf32>
    %broadcast_in_dim3A_37 = vector.broadcast %get3A_36 : f32 to vector<400x400xf32>
    %select_n3A_38 = arith.select %eq3A_22, %broadcast_in_dim3A, %broadcast_in_dim3A_37 : vector<400x400xi1>, vector<400x400xf32>
    %mul3A = arith.mulf %select_n3A_38, %add3A_30 : vector<400x400xf32>
    %jit3A = arith.constant 0.000000e+00 : f32
    %broadcast_in_dim3A_39 = vector.broadcast %jit3A : f32 to vector<400x400xf32>
    %select_n3A_40 = arith.select %ne3A_20, %mul3A, %broadcast_in_dim3A_39 : vector<400x400xi1>, vector<400x400xf32>
    %bitcast_convert_type3A = tpu.bitcast %select_n3A_40 : vector<400x400xf32> -> vector<400x400xi32>
    %swap3A = arith.constant 0 : index
    %swap3A_41 = arith.constant 0 : index
    %swap3A_42 = arith.constant 0 : index
    %swap3A_43 = arith.constant 0 : index
    %swap3A_44 = vector.load %arg5[%swap3A, %swap3A_41, %swap3A_42, %swap3A_43] : memref<1x1x400x400xi32, #tpu.memory_space<vmem>>, vector<1x1x400x400xi32>
    %swap3A_45 = vector.shape_cast %swap3A_44 : vector<1x1x400x400xi32> to vector<400x400xi32>
    %swap3A_46 = vector.shape_cast %bitcast_convert_type3A : vector<400x400xi32> to vector<1x1x400x400xi32>
    tpu.vector_store %arg5[%swap3A, %swap3A_41, %swap3A_42, %swap3A_43], %swap3A_46 {strides = array<i32>} : memref<1x1x400x400xi32, #tpu.memory_space<vmem>>, vector<1x1x400x400xi32>,
    return
  }
  func.func @transform_0(%arg0: i32, %arg1: i32) -> (i32, i32, i32, i32, i32) {
    %c0_i32 = arith.constant 0 : i32
    %c0_i32_0 = arith.constant 0 : i32
    %c0_i32_1 = arith.constant 0 : i32
    %c0_i32_2 = arith.constant 0 : i32
    return %arg1, %arg0, %c0_i32, %c0_i32_0, %c0_i32_1 : i32, i32, i32, i32, i32
  }
  func.func @transform_1(%arg0: i32, %arg1: i32) -> (i32, i32, i32, i32) {
    %c0_i32 = arith.constant 0 : i32
    %c0_i32_0 = arith.constant 0 : i32
    %c0_i32_1 = arith.constant 0 : i32
    return %arg1, %arg0, %c0_i32, %c0_i32_0 : i32, i32, i32, i32
  }
  func.func @transform_2(%arg0: i32, %arg1: i32) -> (i32, i32) {
    %c0_i32 = arith.constant 0 : i32
    %c0_i32_0 = arith.constant 0 : i32
    %c0_i32_1 = arith.constant 0 : i32
    return %c0_i32, %c0_i32_0 : i32, i32
  }
  func.func @transform_3(%arg0: i32, %arg1: i32) -> (i32, i32, i32, i32) {
    %c0_i32 = arith.constant 0 : i32
    %c0_i32_0 = arith.constant 0 : i32
    %c0_i32_1 = arith.constant 0 : i32
    return %arg0, %arg1, %c0_i32, %c0_i32_0 : i32, i32, i32, i32
  }
}

module attributes {stable_mosaic.version = 14 : i64} {
  func.func @_ce2_body(%arg0: i32, %arg1: memref<1x1x2x400x400xf32, #tpu.memory_space<vmem>>, %arg2: memref<1x1x400x400xi32, #tpu.memory_space<vmem>>, %arg3: memref<3x2xf32, #tpu.memory_space<smem>>, %arg4: memref<1x4xf32, #tpu.memory_space<smem>>) attributes {dimension_semantics = [#tpu.dimension_semantics<arbitrary>], iteration_bounds = array<i64: 4>, scalar_prefetch = 0 : i64, scratch_operands = 0 : i64, tpu.core_type = #tpu.core_type<tc>, window_params = [{transform_indices = @transform_0, window_bounds = array<i64: 1, 1, 2, 400, 400>}, {transform_indices = @transform_1, window_bounds = array<i64: 1, 1, 400, 400>}, {transform_indices = @transform_2, window_bounds = array<i64: 3, 2>}, {transform_indices = @transform_3, window_bounds = array<i64: 1, 4>}]} {
    %get3A = arith.constant 0 : index
    %get3A_0 = arith.constant 0 : index
    %get3A_1 = arith.constant 0 : index
    %get3A_2 = arith.constant 0 : index
    %get3A_3 = arith.constant 0 : index
    %get3A_4 = vector.load %arg1[%get3A, %get3A_0, %get3A_1, %get3A_2, %get3A_3] : memref<1x1x2x400x400xf32, #tpu.memory_space<vmem>>, vector<1x1x1x400x400xf32>
    %get3A_5 = vector.shape_cast %get3A_4 : vector<1x1x1x400x400xf32> to vector<400x400xf32>
    %get3A_6 = arith.constant 0 : index
    %get3A_7 = arith.constant 0 : index
    %get3A_8 = arith.constant 1 : index
    %get3A_9 = arith.constant 0 : index
    %get3A_10 = arith.constant 0 : index
    %get3A_11 = vector.load %arg1[%get3A_6, %get3A_7, %get3A_8, %get3A_9, %get3A_10] : memref<1x1x2x400x400xf32, #tpu.memory_space<vmem>>, vector<1x1x1x400x400xf32>
    %get3A_12 = vector.shape_cast %get3A_11 : vector<1x1x1x400x400xf32> to vector<400x400xf32>
    %get3A_13 = arith.constant 0 : index
    %get3A_14 = arith.constant 0 : index
    %get3A_15 = arith.constant 0 : index
    %get3A_16 = arith.constant 0 : index
    %get3A_17 = vector.load %arg2[%get3A_13, %get3A_14, %get3A_15, %get3A_16] : memref<1x1x400x400xi32, #tpu.memory_space<vmem>>, vector<1x1x400x400xi32>
    %get3A_18 = vector.shape_cast %get3A_17 : vector<1x1x400x400xi32> to vector<400x400xi32>
    %ne3A = arith.constant 255 : i32
    %ne3A_19 = vector.broadcast %ne3A : i32 to vector<400x400xi32>
    %ne3A_20 = arith.cmpi ne, %get3A_18, %ne3A_19 : vector<400x400xi32>
    %eq3A = arith.constant 1 : i32
    %eq3A_21 = vector.broadcast %eq3A : i32 to vector<400x400xi32>
    %eq3A_22 = arith.cmpi eq, %get3A_18, %eq3A_21 : vector<400x400xi32>
    %sub3A = arith.subf %get3A_5, %get3A_12 : vector<400x400xf32>
    %sub3A_23 = arith.subf %get3A_12, %get3A_5 : vector<400x400xf32>
    %select_n3A = arith.select %eq3A_22, %sub3A, %sub3A_23 : vector<400x400xi1>, vector<400x400xf32>
    %max3A = arith.constant 0.000000e+00 : f32
    %max3A_24 = vector.broadcast %max3A : f32 to vector<400x400xf32>
    %max3A_25 = arith.maximumf %select_n3A, %max3A_24 : vector<400x400xf32>
    %abs3A = math.absf %select_n3A : vector<400x400xf32>
    %neg3A = arith.constant 0.000000e+00 : f32
    %neg3A_26 = vector.broadcast %neg3A : f32 to vector<400x400xf32>
    %neg3A_27 = arith.subf %neg3A_26, %abs3A : vector<400x400xf32>
    %exp3A = math.exp %neg3A_27 : vector<400x400xf32>
    %add3A = arith.constant 1.000000e+00 : f32
    %add3A_28 = vector.broadcast %add3A : f32 to vector<400x400xf32>
    %add3A_29 = arith.addf %add3A_28, %exp3A : vector<400x400xf32>
    %log3A = math.log %add3A_29 : vector<400x400xf32>
    %add3A_30 = arith.addf %max3A_25, %log3A : vector<400x400xf32>
    %get3A_31 = arith.constant 2 : index
    %get3A_32 = arith.constant 1 : index
    %get3A_33 = memref.load %arg3[%get3A_31, %get3A_32] : memref<3x2xf32, #tpu.memory_space<smem>>
    %get3A_34 = arith.constant 2 : index
    %get3A_35 = arith.constant 0 : index
    %get3A_36 = memref.load %arg3[%get3A_34, %get3A_35] : memref<3x2xf32, #tpu.memory_space<smem>>
    %broadcast_in_dim3A = vector.broadcast %get3A_33 : f32 to vector<400x400xf32>
    %broadcast_in_dim3A_37 = vector.broadcast %get3A_36 : f32 to vector<400x400xf32>
    %select_n3A_38 = arith.select %eq3A_22, %broadcast_in_dim3A, %broadcast_in_dim3A_37 : vector<400x400xi1>, vector<400x400xf32>
    %mul3A = arith.mulf %select_n3A_38, %add3A_30 : vector<400x400xf32>
    %jit3A = arith.constant 0.000000e+00 : f32
    %broadcast_in_dim3A_39 = vector.broadcast %jit3A : f32 to vector<400x400xf32>
    %select_n3A_40 = arith.select %ne3A_20, %mul3A, %broadcast_in_dim3A_39 : vector<400x400xi1>, vector<400x400xf32>
    %reduce_sum3A = vector.shape_cast %select_n3A_40 : vector<400x400xf32> to vector<1x400x400xf32>
    %reduce_sum3A_41 = arith.constant dense<0.000000e+00> : vector<1xf32>
    %reduce_sum3A_42 = vector.multi_reduction <add>, %reduce_sum3A, %reduce_sum3A_41 [1, 2] : vector<1x400x400xf32> to vector<1xf32>
    %reduce_sum3A_43 = vector.shape_cast %reduce_sum3A_42 : vector<1xf32> to vector<1x1x1xf32>
    %reduce_sum3A_44 = vector.extract %reduce_sum3A_43[0, 0, 0] : f32 from vector<1x1x1xf32>
    %swap3A = arith.constant 0 : index
    %swap3A_45 = arith.index_cast %arg0 : i32 to index
    %swap3A_46 = memref.load %arg4[%swap3A, %swap3A_45] : memref<1x4xf32, #tpu.memory_space<smem>>
    memref.store %reduce_sum3A_44, %arg4[%swap3A, %swap3A_45] : memref<1x4xf32, #tpu.memory_space<smem>>
    return
  }
  func.func @transform_0(%arg0: i32) -> (i32, i32, i32, i32, i32) {
    %c2_i32 = arith.constant 2 : i32
    %c0_i32 = arith.constant 0 : i32
    %c0_i32_0 = arith.constant 0 : i32
    %c0_i32_1 = arith.constant 0 : i32
    %c0_i32_2 = arith.constant 0 : i32
    return %arg0, %c2_i32, %c0_i32, %c0_i32_0, %c0_i32_1 : i32, i32, i32, i32, i32
  }
  func.func @transform_1(%arg0: i32) -> (i32, i32, i32, i32) {
    %c2_i32 = arith.constant 2 : i32
    %c0_i32 = arith.constant 0 : i32
    %c0_i32_0 = arith.constant 0 : i32
    %c0_i32_1 = arith.constant 0 : i32
    return %arg0, %c2_i32, %c0_i32, %c0_i32_0 : i32, i32, i32, i32
  }
  func.func @transform_2(%arg0: i32) -> (i32, i32) {
    %c0_i32 = arith.constant 0 : i32
    %c0_i32_0 = arith.constant 0 : i32
    %c0_i32_1 = arith.constant 0 : i32
    return %c0_i32, %c0_i32_0 : i32, i32
  }
  func.func @transform_3(%arg0: i32) -> (i32, i32) {
    %c0_i32 = arith.constant 0 : i32
    %c0_i32_0 = arith.constant 0 : i32
    %c0_i32_1 = arith.constant 0 : i32
    return %c0_i32, %c0_i32_0 : i32, i32
  }
}

</mosaic_0001>

<sc_bundles>
// kernel: kernel.5.cloned.1.call-start
scs
__scs_entry_jumppad:
0x0: {  	(pc) =	sbr.rel $0x88, $3  }
0x1: {  	(tag) =	ssettag $0x0;
	lr =	simm.s32 $0x1  }
0x2: {  	[smem:$0x3F9E] =	sst lr;
	_ =	strace $0xD0000000  }
0x3: {  	_ = 	snop  }
0x4: {  	_ = 	snop  }
0x5: {  	_ = 	snop  }
0x6: {  	_ = 	snop  }
0x7: {  	_ = 	snop  }
__scs_overlays_trampoline_lowered:
0x8: {  	[smem:$0x3FAD] =	sst s0  }
0x9: {  	[smem:$0x3FAE] =	sst s1  }
0xa: {  	[smem:$0x3FAF] =	sst s2  }
0xb: {  	[smem:$0x3FB0] =	sst s3  }
0xc: {  	[smem:$0x3FB1] =	sst s4  }
0xd: {  	[smem:$0x3FB2] =	sst s5  }
0xe: {  	[smem:$0x3FB3] =	sst s6  }
0xf: {  	[smem:$0x3FB4] =	sst s7  }
0x10: {  	[smem:$0x3FB5] =	sst s8  }
0x11: {  	[smem:$0x3FB6] =	sst s9;
	s0 =	simm.s32 @!p0 $0x0  }
0x12: {  	s1 =	sld [smem:$0x3F9C];
	s0 =	simm.s32 @p0 $0x1  }
0x13: {  	[smem:$0x3FB7] =	sst s0;
	s0 =	simm.s32 @!p1 $0x0  }
0x14: {  	s2 =	sld [smem:$0x3F9B];
	s0 =	simm.s32 @p1 $0x1  }
0x15: {  	[smem:$0x3FB8] =	sst s0;
	s0 =	simm.s32 @!p2 $0x0  }
0x16: {  	s3 =	sld [smem:$0x3FDB];
	s0 =	simm.s32 @p2 $0x1  }
0x17: {  	s4 =	simm.s32 $0x1BF5;
	[smem:$0x3FBA] =	sst s0  }
0x18: {  	s0 =	sld [smem:$0x3F9D];
	_ =	swait.ge [sflag:s4], $0x0  }
0x19: {  	s7 =	sld [smem:$0x3F9E]  }
0x1a: {  	s8 =	sadd.s32 $0xFFFFE003, lr  }
0x1b: {  	s9 =	sadd.s32 $0xFFFFFEF7, lr;
	s5 =	simm.s32 $0xFFFFFFFF;
	p2 =	slt.u32 s8, $0xFFFFF086  }
0x1c: {  	p1 =	slt.u32 s9, $0xF7A;
	s5 =	simm.s32 @!p2 $0x0  }
0x1d: {  	s5 =	simm.s32 @p1 $0x1;
	p0 =	seq.s32 s7, s2  }
0x1e: {  	s7 =	smul.u32 @!p0 $0xF7A, s2;
	p2 =	seq.s32 @!p0 s5, $0x0  }
0x1f: {  	s9 =	smul.u32 $0xF7A, s1;
	s8 =	simm.s32 @!p0 $0x1BF5;
	p2 =	por !p2, p0  }
0x20: {  	[sflag:s8] =	ssyncset.s32 @!p0 $0xFFFFF086;
	s6 =	sadd.s32 @!p0 s3, s7;
	s7 =	simm.s32 @!p0 $0x108  }
0x21: {  	s3 =	sadd.s32 s3, s9;
	s6 =	sadd.s32 @!p0 $0x88, s6;
	s7 =	simm.s32 @p2 $0x1082  }
0x22: {  	[simem:s7], [sflag:s8] =	dma.local @!p0 [hbm:s6], $0xF7A  }
0x23: {  	s9 =	sor.u32 $0xD0000000, s2;
	s6 =	simm.s32 $0x108;
	_ =	swait.ge @!p0 [sflag:s8], $0x0  }
0x24: {  	s3 =	sadd.s32 $0x88, s3;
	s6 =	simm.s32 @!p1 $0x1082;
	[sflag:s4] =	ssyncset.s32 $0xFFFFF086  }
0x25: {  	[simem:s6], [sflag:s4] =	dma.local [hbm:s3], $0xF7A  }
0x26: {  	[smem:$0x3F9E] =	sst s1;
	(tag) =	ssettag s2;
	_ =	strace s9  }
0x27: {  	s1 =	sld [smem:$0x3FAE]  }
0x28: {  	s2 =	sld [smem:$0x3FAF]  }
0x29: {  	s4 =	sld [smem:$0x3FB1]  }
0x2a: {  	p0 =	seq.s32 s5, $0x0;
	s5 =	sld [smem:$0x3FB2]  }
0x2b: {  	s6 =	sld [smem:$0x3FB3]  }
0x2c: {  	s7 =	sld [smem:$0x3FB4]  }
0x2d: {  	s3 =	simm.s32 $0x108;
	s8 =	sld [smem:$0x3FB5]  }
0x2e: {  	s3 =	simm.s32 @!p0 $0x1082;
	s9 =	sld [smem:$0x3FB6]  }
0x2f: {  	lr =	sadd.s32 s0, s3;
	s0 =	sld [smem:$0x3FAD]  }
0x30: {  	s3 =	sld [smem:$0x3FB0]  }
0x31: {  	[smem:$0x3FB9] =	sst s10  }
0x32: {  	s10 =	sld [smem:$0x3FB7];
	_ =	sdelay $0x3  }
0x33: {  	p0 =	seq.s32 s10, $0x1;
	s10 =	sld [smem:$0x3FB9];
	_ =	sdelay $0x3  }
0x34: {  	[smem:$0x3FB9] =	sst s10  }
0x35: {  	s10 =	sld [smem:$0x3FB8];
	_ =	sdelay $0x3  }
0x36: {  	p1 =	seq.s32 s10, $0x1;
	s10 =	sld [smem:$0x3FB9];
	_ =	sdelay $0x3  }
0x37: {  	[smem:$0x3FB9] =	sst s10  }
0x38: {  	s10 =	sld [smem:$0x3FBA]  }
0x39: {  	_ = 	snop;
	(pc) =	sbr.ind lr, $3  }
0x3a: {  	_ = 	snop  }
0x3b: {  	_ = 	snop  }
0x3c: {  	p2 =	seq.s32 s10, $0x1;
	s10 =	sld [smem:$0x3FB9]  }
0x3d: {  	_ =	shalt  }
0x3e: {  	_ =	shalt  }
0x3f: {  	_ =	shalt  }
0x40: {  	_ =	shalt  }
0x41: {  	_ =	shalt  }
0x42: {  	_ =	shalt  }
0x43: {  	_ =	shalt  }
0x44: {  	_ =	shalt  }
0x45: {  	_ =	shalt  }
0x46: {  	_ =	shalt  }
0x47: {  	_ =	shalt  }
0x48: {  	_ =	shalt  }
0x49: {  	_ =	shalt  }
0x4a: {  	_ =	shalt  }
0x4b: {  	_ =	shalt  }
0x4c: {  	_ =	shalt  }
0x4d: {  	_ =	shalt  }
0x4e: {  	_ =	shalt  }
0x4f: {  	_ =	shalt  }
0x50: {  	_ =	shalt  }
0x51: {  	_ =	shalt  }
0x52: {  	_ =	shalt  }
0x53: {  	_ =	shalt  }
0x54: {  	_ =	shalt  }
0x55: {  	_ =	shalt  }
0x56: {  	_ =	shalt  }
0x57: {  	_ =	shalt  }
0x58: {  	_ =	shalt  }
0x59: {  	_ =	shalt  }
0x5a: {  	_ =	shalt  }
0x5b: {  	_ =	shalt  }
0x5c: {  	_ =	shalt  }
0x5d: {  	_ =	shalt  }
0x5e: {  	_ =	shalt  }
0x5f: {  	_ =	shalt  }
0x60: {  	_ =	shalt  }
0x61: {  	_ =	shalt  }
0x62: {  	_ =	shalt  }
0x63: {  	_ =	shalt  }
0x64: {  	_ =	shalt  }
0x65: {  	_ =	shalt  }
0x66: {  	_ =	shalt  }
0x67: {  	_ =	shalt  }
0x68: {  	_ =	shalt  }
0x69: {  	_ =	shalt  }
0x6a: {  	_ =	shalt  }
0x6b: {  	_ =	shalt  }
0x6c: {  	_ =	shalt  }
0x6d: {  	_ =	shalt  }
0x6e: {  	_ =	shalt  }
0x6f: {  	_ =	shalt  }
0x70: {  	_ =	shalt  }
0x71: {  	_ =	shalt  }
0x72: {  	_ =	shalt  }
0x73: {  	_ =	shalt  }
0x74: {  	_ =	shalt  }
0x75: {  	_ =	shalt  }
0x76: {  	_ =	shalt  }
0x77: {  	_ =	shalt  }
0x78: {  	_ =	shalt  }
0x79: {  	_ =	shalt  }
0x7a: {  	_ =	shalt  }
0x7b: {  	_ =	shalt  }
0x7c: {  	_ =	shalt  }
0x7d: {  	_ =	shalt  }
0x7e: {  	_ =	shalt  }
0x7f: {  	_ =	shalt  }
0x80: {  	_ =	shalt  }
0x81: {  	_ =	shalt  }
0x82: {  	_ =	shalt  }
0x83: {  	_ =	shalt  }
0x84: {  	_ =	shalt  }
0x85: {  	_ =	shalt  }
0x86: {  	_ =	shalt  }
0x87: {  	_ =	shalt  }
.Lfunc_end0:
.L_simem_size_0:
called_computation_lowered:
.L_overlay_start_0:
0x88: {  	s2 =	sld [smem:$0x3FD9]  }
0x89: {  	s3 =	sld [smem:$0x3FFE];
	_ =	sdelay $0x1  }
0x8a: {  	s1 =	srdreg.scid  }
0x8b: {  	s0 =	sand.u32 $0x1, s1  }
0x8c: {  	s16 =	sshll.u32 s0, $0xA;
	s2 =	sadd.s32 s3, s2  }
0x8d: {  	s2 =	sadd.s32 s2, s16  }
0x8e: {  	[smem:$0x3FC5] =	sst s2  }
0x8f: {  	_ = 	snop  }
0x90: {  	(tm) =	ssettm $0x1  }
0x91: {  	s17 =	sld [smem:$0x3FFB];
	_ =	sdelay $0x3  }
0x92: {  	_ =	strace s17  }
0x93: {  	s2 =	sld [smem:$0x3FFC];
	_ =	sdelay $0x3  }
0x94: {  	_ =	strace s2  }
0x95: {  	s2 =	sld [smem:$0x3FFD];
	_ =	sdelay $0x3  }
0x96: {  	_ =	strace s2  }
0x97: {  	_ =	strace $0x8FFFFFFF  }
0x98: {  	s18 =	sld [smem:$0x3FDB];
	_ =	sdelay $0x1  }
0x99: {  	s19 =	simm.s32 $_scs_section_size  }
0x9a: {  	s4 =	simm.s32 $_size__tile_overlayer_lowered;
	s5 =	simm.s32 $_tile_overlayer_lowered  }
0x9b: {  	s22 =	simm.s32 $0x1BFF;
	s21 =	sshll.u32 s5, $0x1;
	s2 =	sadd.s32 s19, s18  }
0x9c: {  	s6 =	simm.s32 $0x0;
	s20 =	sshll.u32 s4, $0x1;
	s4 =	sadd.s32 s21, s2  }
0x9d: {  	[timem:s6], [sflag:s22] =	dma.local [hbm:s4], s20  }
0x9e: {  	_ =	swait.ge [sflag:s22], s20  }
0x9f: {  	s3 =	ssub.s32 $0x0, s20;
	[sflag:s22] =	ssyncset.done $0x0  }
0xa0: {  	[sflag:s22] =	ssyncadd.s32 s3;
	_ =	sdelay $0x1  }
0xa1: {  	s23 =	simm.s32 $0x1B8B  }
0xa2: {  	_ =	swait.ge [sflag:s23], $0x1  }
0xa3: {  	[sflag:s23] =	ssyncset.done $0x0  }
0xa4: {  	s25 =	simm.s32 $0x1B8E;
	s24 =	sld [smem:$0x3FFE];
	[sflag:s23] =	ssyncadd.s32 $0xFFFFFFFF  }
0xa5: {  	s26 =	simm.s32 $execute0_lowered;
	[smem:$0x3FD2] =	sst s25  }
0xa6: {  	s4 =	sshll.u32 s26, $0x1;
	_ =	strace $0x80000046;
	[dreg:$0x1] =	wrdreg $0xFFFFFFFF  }
0xa7: {  	s28 =	simm.s32 $_size_execute0_lowered;
	s2 =	sadd.s32 s2, s4;
	[dreg:$0x0] =	wrdreg $0x0  }
0xa8: {  	s4 =	sshll.u32 s28, $0x1;
	[dreg:$0x2] =	wrdreg s2  }
0xa9: {  	[dreg:$0x3] =	wrdreg s4  }
0xaa: {  	[dreg:$0x4] =	wrdreg $0xC0  }
0xab: {  	_ =	task [dreg:s6], $0x5FFFF  }
0xac: {  	[dreg:$0x1] =	wrdreg $0xFFFFFFFF  }
0xad: {  	[dreg:$0x0] =	wrdreg $0x60  }
0xae: {  	[dreg:$0x2] =	wrdreg s24  }
0xaf: {  	[dreg:$0x3] =	wrdreg $0x9  }
0xb0: {  	_ =	task.clear_ibuf [dreg:s6], $0x4FFFF;
	_ =	strace $0x90000046  }
0xb1: {  	s29 =	simm.s32 $0x9;
	_ =	strace $0x80000048  }
0xb2: {  	_ =	swait.ge [sflag:s29], $0x1  }
0xb3: {  	[sflag:s29] =	ssyncadd.s32 $0xFFFFFFFF  }
0xb4: {  	_ =	strace $0x90000048  }
0xb5: {  	_ =	sfence  }
0xb6: {  	s30 =	sld [smem:$0x0];
	_ =	sdelay $0x2  }
0xb7: {  	s31 =	sshll.u32 s1, $0xD;
	s1 =	sshrl.u32 s1, $0x2  }
0xb8: {  	s3 =	sand.u32 $0x4000, s31;
	s1 =	sadd.s32 s1, s30  }
0xb9: {  	s0 =	sor.u32 s3, s0;
	s1 =	sshll.u32 s1, $0x11  }
0xba: {  	s0 =	sor.u32 s1, s0  }
0xbb: {  	s0 =	sadd.s32 $0x8F2B, s0  }
0xbc: {  	[sflag:s0] =	ssyncadd.remote.s32 $0x1  }
0xbd: {  	_ =	sfence.sel $0xFFFF  }
0xbe: {  	[dreg:$0x0] =	wrdreg $0xFFFFFFFF;
	(pc) =	sbr.abs _section_cstart, $3  }
0xbf: {  	[dreg:$0x1] =	wrdreg $0xFFFFFFFF  }
0xc0: {  	_ =	task.clear_ibuf [dreg:s6], $0x2FFFF;
	_ =	strace $0x9FFFFFFF  }
0xc1: {  	(tm) =	ssettm $0x7FFFFFFF  }
tec
execute0_lowered:
.L_overlay_start_1:
0x0: {  	(tag) =	ssettag $0x1  }
0x1: {  	s0 =	srdreg.scid  }
0x2: {  	s3 =	rddreg [dreg:$0x0];
	s1 =	stileid.u32  }
0x3: {  	s12 =	simm.s32 $0x80;
	s13 =	simm.s32 $0x400;
	s14 =	simm.s32 $0x200  }
0x4: {  	s15 =	simm.s32 $0xA480;
	s16 =	simm.s32 $0xC480;
	s17 =	simm.s32 $0xC500  }
0x5: {  	s18 =	simm.s32 $0x0;
	s4 =	sand.u32 $0x1, s0;
	s0 =	rddreg [dreg:$0x1]  }
0x6: {  	s7 =	sshll.u32 s1, $0x7;
	s10 =	sadd.s32 $0x27200, s3;
	s30 =	sshll.u32 s1, $0x8  }
0x7: {  	s31 =	sshll.u32 s1, $0x4;
	s2 =	sshll.u32 s4, $0x4;
	s7 =	sand.u32 $0x380, s7  }
0x8: {  	s9 =	ssub.s32 $0x2, s4;
	s4 =	sshll.u32 s4, $0xC;
	s5 =	sor.u32 s1, s2  }
0x9: {  	s2 =	simm.s32 $0x0;
	s11 =	sshrl.u32 s9, $0x1;
	s4 =	sadd.s32 s10, s4  }
0xa: {  	s6 =	sshrl.u32 s5, $0x3;
	[smem:$0x7FF] =	sst s2;
	s5 =	smul.u32 $0x1388, s5  }
0xb: {  	s9 =	ssub.s32 s9, s11;
	s11 =	simm.s32 $0x9C80;
	s8 =	sshll.u32 s6, $0xA  }
0xc: {  	_ =	strace $0x80000047;
	s29 =	sshll.u32 s6, $0xE;
	s8 =	sor.u32 s7, s8  }
0xd: {  	s6 =	sand.u32 $0x800, s30;
	s9 =	smax.u32 s9, $0x1;
	s8 =	sshrl.u32 s8, $0x3  }
0xe: {  	v0 =	vlaneseq.u32;
	s8 =	sadd.s32 s8, s3;
	s3 =	sadd.s32 s3, s5;
	s5 =	sor.u32 s7, s29  }
0xf: {  	v3 =	vmul.u32 $0xFFFFFFFF, v0;
	s6 =	sadd.s32 s6, s4;
	s7 =	sand.u32 $0x40, s31;
	s5 =	sshrl.u32 s5, $0x3  }
0x10: {  	v1 =	vimm.s32 $0x0;
	s4 =	sadd.s32 s10, s5;
	s5 =	sadd.s32 s7, s6;
	s6 =	sadd.s32 $0x29200, s8  }
0x11: {  	v2 =	vimm.s32 $0x1;
	v4 =	vimm.s32 $0xF;
	v3 =	vadd.s32 $0xF, v3;
	s7 =	sadd.s32 $0x29600, s8;
	s8 =	sadd.s32 $0x29400, s8;
	s10 =	simm.s32 $0x1  }
.LBB2_1:
0x12: {  	[tilespmem:s2], [sflag:$0x1] =	stream.linear.gather [hbm4b:s3+s2], $0x9C40, $0x38;
	[tilespmem:$0xC580] =	vst v63  }
0x13: {  	_ =	swait.ge [sflag:s10], $0x9C40  }
0x14: {  	[sflag:s10] =	ssyncset.done $0x0  }
0x15: {  	s21 =	simm.s32 $0x9CA0;
	[sflag:s10] =	ssyncadd.s32 $0xFFFF63C0  }
0x16: {  	[tilespmem:s21+$0xFFFFFFE0] =	vst v1  }
0x17: {  	[tilespmem:s21+$0x10] =	vst v1  }
0x18: {  	s22 =	simm.s32 $0x0;
	s19 =	simm.s32 $0x40;
	[tilespmem:s21+$0x0] =	vst v1  }
.LBB2_2:
0x19: {  	s22 =	sadd.s32 $0x4, s22  }
0x1a: {  	[tilespmem:s21+$0xFFFFFFF0] =	vst v1;
	s21 =	sadd.s32 $0x40, s21;
	s20 =	simm.s32 $0xFFFFFFF8;
	p0 =	slt.u32 s22, $0x7C  }
.Ltmp0:
0x1b: {  	[tilespmem:s21+$0xFFFFFFE0] =	vst v1;
	(pc) =	sbr.rel @p0 .LBB2_2-.Ltmp0, $3  }
0x1c: {  	_ =	sdelay $0x1  }
0x1d: {  	[tilespmem:s21+$0x10] =	vst v1  }
0x1e: {  	[tilespmem:s21+$0x0] =	vst v1  }
0x1f: {  	[tilespmem:s21+$0xFFFFFFF0] =	vst v1  }
.LBB2_4:
0x20: {  	v5 =	vld [tilespmem:s19+$0xFFFFFFC0];
	_ =	sdelay $0x4  }
0x21: {  	v5 =	vshra.s32 v5, $0x14;
	_ =	sdelay $0x4  }
0x22: {  	[tilespmem:v5+s11+$0x0] =	vst.idx.add.s32.msk $0xffff, v2  }
0x23: {  	v5 =	vld [tilespmem:s19+$0xFFFFFFD0];
	_ =	sdelay $0x4  }
0x24: {  	v5 =	vshra.s32 v5, $0x14;
	_ =	sdelay $0x4  }
0x25: {  	[tilespmem:v5+s11+$0x0] =	vst.idx.add.s32.msk $0xffff, v2  }
0x26: {  	v5 =	vld [tilespmem:s19+$0xFFFFFFE0];
	_ =	sdelay $0x4  }
0x27: {  	v5 =	vshra.s32 v5, $0x14;
	_ =	sdelay $0x4  }
0x28: {  	[tilespmem:v5+s11+$0x0] =	vst.idx.add.s32.msk $0xffff, v2  }
0x29: {  	v5 =	vld [tilespmem:s19+$0xFFFFFFF0];
	_ =	sdelay $0x4  }
0x2a: {  	v5 =	vshra.s32 v5, $0x14;
	_ =	sdelay $0x4  }
0x2b: {  	[tilespmem:v5+s11+$0x0] =	vst.idx.add.s32.msk $0xffff, v2  }
0x2c: {  	v5 =	vld [tilespmem:s19+$0x0];
	_ =	sdelay $0x4  }
0x2d: {  	v5 =	vshra.s32 v5, $0x14;
	_ =	sdelay $0x4  }
0x2e: {  	[tilespmem:v5+s11+$0x0] =	vst.idx.add.s32.msk $0xffff, v2  }
0x2f: {  	v5 =	vld [tilespmem:s19+$0x10];
	_ =	sdelay $0x4  }
0x30: {  	v5 =	vshra.s32 v5, $0x14;
	_ =	sdelay $0x4  }
0x31: {  	[tilespmem:v5+s11+$0x0] =	vst.idx.add.s32.msk $0xffff, v2  }
0x32: {  	v5 =	vld [tilespmem:s19+$0x20];
	_ =	sdelay $0x4  }
0x33: {  	v5 =	vshra.s32 v5, $0x14;
	_ =	sdelay $0x4  }
0x34: {  	[tilespmem:v5+s11+$0x0] =	vst.idx.add.s32.msk $0xffff, v2  }
0x35: {  	v5 =	vld [tilespmem:s19+$0x30];
	_ =	sdelay $0x3  }
0x36: {  	s20 =	sadd.s32 $0x8, s20  }
0x37: {  	p0 =	slt.u32 s20, $0x9B8;
	v5 =	vshra.s32 v5, $0x14  }
.Ltmp1:
0x38: {  	_ = 	snop;
	(pc) =	sbr.rel @p0 .LBB2_4-.Ltmp1, $2  }
0x39: {  	_ =	sdelay $0x2  }
0x3a: {  	s19 =	sadd.s32 $0x80, s19;
	[tilespmem:v5+s11+$0x0] =	vst.idx.add.s32.msk $0xffff, v2  }
0x3b: {  	v5 =	vld [tilespmem:$0x9C00];
	_ =	sdelay $0x4  }
0x3c: {  	v5 =	vshra.s32 v5, $0x14;
	_ =	sdelay $0x4  }
0x3d: {  	[tilespmem:v5+s11+$0x0] =	vst.idx.add.s32.msk $0xffff, v2  }
0x3e: {  	v5 =	vld [tilespmem:$0x9C10];
	_ =	sdelay $0x4  }
0x3f: {  	v5 =	vshra.s32 v5, $0x14;
	_ =	sdelay $0x4  }
0x40: {  	[tilespmem:v5+s11+$0x0] =	vst.idx.add.s32.msk $0xffff, v2  }
0x41: {  	v5 =	vld [tilespmem:$0x9C20];
	_ =	sdelay $0x4  }
0x42: {  	v5 =	vshra.s32 v5, $0x14;
	_ =	sdelay $0x4  }
0x43: {  	[tilespmem:v5+s11+$0x0] =	vst.idx.add.s32.msk $0xffff, v2  }
0x44: {  	v5 =	vld [tilespmem:$0x9C30];
	_ =	sdelay $0x4  }
0x45: {  	v5 =	vshra.s32 v5, $0x14;
	_ =	sdelay $0x4  }
0x46: {  	[tilespmem:v5+s11+$0x0] =	vst.idx.add.s32.msk $0xffff, v2  }
0x47: {  	[hbm4b:s4+s12] =	stream.strided.scatter [tilespmem:s11], [sflag:$0x1], $0x800, s13, s12, $0x38;
	[tilespmem:$0xC580] =	vst v63  }
0x48: {  	_ =	swait.ge [sflag:s10], $0x800  }
0x49: {  	[sflag:s10] =	ssyncset.done $0x0  }
0x4a: {  	[sflag:s10] =	ssyncadd.s32 $0xFFFFF800  }
0x4b: {  	[bflag:$0x0] =	sbarrier.arrive $0xFFFF  }
0x4c: {  	[tilespmem:s15], [sflag:$0x1] =	stream.strided.gather [hbm4b:s5+s14], $0x2000, s13, s14, $0x38;
	[tilespmem:$0xC580] =	vst v63  }
0x4d: {  	_ =	swait.ge [sflag:s10], $0x2000  }
0x4e: {  	s22 =	simm.s32 $0x7F0;
	s19 =	simm.s32 $0x1FC0;
	[sflag:s10] =	ssyncset.done $0x0  }
0x4f: {  	s20 =	sand.u32 $0x70, s22;
	s19 =	sand.u32 $0x1E00, s19;
	[sflag:s10] =	ssyncadd.s32 $0xFFFFE000  }
0x50: {  	s19 =	sor.u32 s20, s19;
	[bflag:$0x0] =	sbarrier.arrive $0xFFFF  }
0x51: {  	v5 =	vld [tilespmem:s19+$0xA480]  }
0x52: {  	v6 =	vld [tilespmem:s19+$0xA500]  }
0x53: {  	v7 =	vld [tilespmem:s19+$0xA580]  }
0x54: {  	v8 =	vld [tilespmem:s19+$0xA600]  }
0x55: {  	s28 =	simm.s32 $0x1F80;
	s20 =	simm.s32 $0x7E0  }
0x56: {  	s21 =	sand.u32 $0x70, s20;
	s19 =	sand.u32 $0x1E00, s28  }
0x57: {  	s21 =	sor.u32 s21, s19;
	v5 =	vadd.s32 v5, v6  }
0x58: {  	v6 =	vld [tilespmem:s21+$0xA480];
	v5 =	vadd.s32 v7, v5  }
0x59: {  	v7 =	vld [tilespmem:s21+$0xA500];
	v11 =	vadd.s32 v8, v5  }
0x5a: {  	s23 =	simm.s32 $0x1F40;
	s19 =	simm.s32 $0x7D0;
	v5 =	vld [tilespmem:s21+$0xA580];
	v8 =	vperm.xlane v11, v3  }
0x5b: {  	s23 =	sand.u32 $0x1E00, s23;
	s24 =	sand.u32 $0x70, s19;
	v9 =	vld [tilespmem:s21+$0xA600]  }
0x5c: {  	s29 =	sor.u32 s24, s23;
	(xrf0) =	vadd.scan.msk.s32 $0xffff, v8  }
0x5d: {  	v10 =	vld [tilespmem:s29+$0xA500]  }
0x5e: {  	v8 =	vld [tilespmem:s29+$0xA480];
	v6 =	vadd.s32 v6, v7  }
0x5f: {  	v12 =	vld [tilespmem:s29+$0xA580];
	v5 =	vadd.s32 v5, v6  }
0x60: {  	s30 =	simm.s32 $0x1F00;
	v14 =	vld [tilespmem:s29+$0xA600];
	s21 =	simm.s32 $0x7C0;
	v7 =	vadd.s32 v9, v5  }
0x61: {  	s23 =	sand.u32 $0x1E00, s30;
	s31 =	sand.u32 $0x70, s21;
	v15 =	vperm.xlane v7, v3  }
0x62: {  	s24 =	sor.u32 s31, s23;
	v6, _, _ =	vpop (xrf0)  }
0x63: {  	v13 =	vadd.s32 v8, v10;
	v10 =	vld [tilespmem:s24+$0xA480];
	(xrf0) =	vadd.scan.msk.s32 $0xffff, v15;
	v8 =	vperm.xlane v6, v3  }
0x64: {  	v5 =	vimm.s32 $0x0;
	v6 =	vadd.s32 v12, v13;
	v13 =	vld [tilespmem:s24+$0xA500]  }
0x65: {  	v12 =	vld [tilespmem:s24+$0xA580];
	v9 =	vadd.s32 v14, v6;
	v6 =	vimm.s32 $0x0;
	v16 =	vadd.s32 v5, v8  }
0x66: {  	s23 =	simm.s32 $0x7B0;
	v14 =	vld [tilespmem:s24+$0xA600];
	s24 =	simm.s32 $0x1EC0;
	v17 =	vperm.xlane v9, v3;
	v15 =	vsub.s32 v16, v11;
	v11 =	vimm.s32 $0x0  }
.LBB2_6:
0x67: {  	s25 =	sand.u32 $0x70, s23  }
0x68: {  	s26 =	sand.u32 $0x1E00, s24;
	vm0 =	vlt.s32 v15, $0x9C40;
	vm1 =	vgt.s32 v16, $0x9C3F;
	v18 =	vmov v9;
	s28 =	smov.u32 s23;
	p0 =	sne.s32 s23, $0x0  }
.Ltmp2:
0x69: {  	s23 =	sadd.s32 $0xFFFFFFF0, s23;
	v16 =	vperm.xlane v8, v1;
	s25 =	sor.u32 s25, s26;
	(xrf0) =	vadd.scan.msk.s32 $0xffff, v17;
	v9, _, _ =	vpop (xrf0);
	vm0 =	vmand vm1, vm0;
	v17 =	vor.u32 s22, v0;
	(pc) =	sbr.rel @p0 .LBB2_6-.Ltmp2, $4  }
0x6a: {  	s22 =	smov.u32 s20;
	s20 =	smov.u32 s19;
	s19 =	smov.u32 s21;
	v19 =	vadd.s32 v10, v13;
	v10 =	vld [tilespmem:s25+$0xA480];
	v8 =	vperm.xlane v9, v3;
	v9 =	vnsel vm0, $0x0, v15  }
0x6b: {  	s21 =	smov.u32 s28;
	v11 =	vadd.s32 v11, v16;
	v13 =	vld [tilespmem:s25+$0xA500];
	v15 =	vadd.s32 v12, v19;
	v5 =	vadd.s32 v5, v9  }
0x6c: {  	v19 =	vnsel vm0, $0x0, v17;
	v12 =	vld [tilespmem:s25+$0xA580];
	v9 =	vadd.s32 v14, v15;
	v16 =	vadd.s32 v11, v8  }
0x6d: {  	s24 =	sadd.s32 $0xFFFFFFC0, s24;
	v6 =	vadd.s32 v6, v19;
	v14 =	vld [tilespmem:s25+$0xA600];
	v17 =	vperm.xlane v9, v3;
	v15 =	vsub.s32 v16, v7;
	v7 =	vmovc v18  }
0x6e: {  	_ =	sdelay $0x1  }
0x6f: {  	v10 =	vadd.s32 v10, v13  }
0x70: {  	v10 =	vadd.s32 v12, v10  }
0x71: {  	(xrf0) =	vadd.scan.msk.s32 $0xffff, v17;
	v10 =	vadd.s32 v14, v10  }
0x72: {  	v53 =	vperm.xlane v10, v3  }
0x73: {  	v8 =	vperm.xlane v8, v1;
	v54, _, _ =	vpop (xrf0)  }
0x74: {  	vm0 =	vlt.s32 v15, $0x9C40;
	vm1 =	vgt.s32 v16, $0x9C3F;
	v12 =	vperm.xlane v54, v3;
	(xrf0) =	vadd.scan.msk.s32 $0xffff, v53  }
0x75: {  	v55 =	vor.u32 s22, v0;
	vm0 =	vmand vm1, vm0;
	v8 =	vadd.s32 v11, v8  }
0x76: {  	v62 =	vor.u32 s20, v0;
	v57 =	vnsel vm0, $0x0, v15;
	v58 =	vadd.s32 v8, v12  }
0x77: {  	v13 =	vnsel vm0, $0x0, v55;
	v12 =	vperm.xlane v12, v1;
	v7 =	vsub.s32 v58, v7;
	v56, _, _ =	vpop (xrf0)  }
0x78: {  	vm12 =	vgt.s32 v58, $0x9C3F;
	vm11 =	vlt.s32 v7, $0x9C40;
	v11 =	vperm.xlane v56, v3  }
0x79: {  	v5 =	vadd.s32 v5, v57;
	v6 =	vadd.s32 v6, v13;
	vm0 =	vmand vm12, vm11  }
0x7a: {  	v8 =	vadd.s32 v8, v12;
	v7 =	vnsel vm0, $0x0, v7;
	v60 =	vperm.xlane v11, v1;
	v59, _, _ =	vpop (xrf0)  }
0x7b: {  	v63 =	vnsel vm0, $0x0, v62;
	v11 =	vadd.s32 v8, v11;
	v61 =	vperm.xlane v59, v3  }
0x7c: {  	v5 =	vadd.s32 v5, v7;
	v7 =	vor.u32 s19, v0;
	v8 =	vadd.s32 v8, v60  }
0x7d: {  	v6 =	vadd.s32 v6, v63;
	v9 =	vsub.s32 v11, v9;
	v8 =	vadd.s32 v8, v61  }
0x7e: {  	vm14 =	vgt.s32 v11, $0x9C3F;
	vm13 =	vlt.s32 v9, $0x9C40;
	v10 =	vsub.s32 v8, v10  }
0x7f: {  	vm0 =	vmand vm14, vm13;
	vm3 =	vgt.s32 v8, $0x9C3F;
	vm2 =	vlt.s32 v10, $0x9C40  }
0x80: {  	v7 =	vnsel vm0, $0x0, v7;
	v8 =	vor.u32 s21, v0;
	vm15 =	vmand vm3, vm2  }
0x81: {  	v9 =	vnsel vm0, $0x0, v9;
	v6 =	vadd.s32 v6, v7;
	v7 =	vnsel vm15, $0x0, v8  }
0x82: {  	v5 =	vadd.s32 v5, v9;
	v8 =	vnsel vm15, $0x0, v10;
	v6 =	vadd.s32 v6, v7  }
0x83: {  	v5 =	vadd.s32 v5, v8;
	(xrf0) =	vadd.scan.msk.s32 $0xffff, v6  }
0x84: {  	(xrf0) =	vadd.scan.msk.s32 $0xffff, v5;
	_ =	sdelay $0x3  }
0x85: {  	s20 =	simm.s32 $0x9CA0  }
0x86: {  	[tilespmem:s20+$0xFFFFFFE0] =	vst v1;
	v5, _, _ =	vpop (xrf0)  }
0x87: {  	[tilespmem:s20+$0x10] =	vst v1;
	v6, _, _ =	vpop (xrf0)  }
0x88: {  	[tilespmem:s20+$0x0] =	vst v1;
	s21 =	simm.s32 $0x0;
	v5 =	vperm.xlane v5, v4;
	v6 =	vperm.xlane v6, v4  }
.LBB2_8:
0x89: {  	s21 =	sadd.s32 $0x4, s21  }
0x8a: {  	[tilespmem:s20+$0xFFFFFFF0] =	vst v1;
	s20 =	sadd.s32 $0x40, s20;
	p0 =	slt.u32 s21, $0x7C  }
.Ltmp3:
0x8b: {  	[tilespmem:s20+$0xFFFFFFE0] =	vst v1;
	(pc) =	sbr.rel @p0 .LBB2_8-.Ltmp3, $3  }
0x8c: {  	_ =	sdelay $0x1  }
0x8d: {  	[tilespmem:s20+$0x10] =	vst v1  }
0x8e: {  	s19 =	simm.s32 $0x40;
	[tilespmem:s20+$0x0] =	vst v1  }
0x8f: {  	[tilespmem:s20+$0xFFFFFFF0] =	vst v1;
	s20 =	simm.s32 $0xFFFFFFF8  }
.LBB2_10:
0x90: {  	v7 =	vld [tilespmem:s19+$0xFFFFFFC0];
	_ =	sdelay $0x4  }
0x91: {  	v8 =	vshra.s32 v7, $0x14  }
0x92: {  	v7 =	vshrl.u32 v7, $0x9;
	vm0 =	veq.s32 v8, v5  }
0x93: {  	v7 =	vand.u32 $0x7FF, v7;
	_ =	sdelay $0x4  }
0x94: {  	[tilespmem:v7+s11+$0x0] =	vst.idx.add.s32.msk vm0, v2  }
0x95: {  	v7 =	vld [tilespmem:s19+$0xFFFFFFD0];
	_ =	sdelay $0x4  }
0x96: {  	v8 =	vshra.s32 v7, $0x14  }
0x97: {  	v7 =	vshrl.u32 v7, $0x9;
	vm9 =	veq.s32 v8, v5  }
0x98: {  	v7 =	vand.u32 $0x7FF, v7;
	_ =	sdelay $0x4  }
0x99: {  	[tilespmem:v7+s11+$0x0] =	vst.idx.add.s32.msk vm9, v2  }
0x9a: {  	v7 =	vld [tilespmem:s19+$0xFFFFFFE0];
	_ =	sdelay $0x4  }
0x9b: {  	v8 =	vshra.s32 v7, $0x14  }
0x9c: {  	v7 =	vshrl.u32 v7, $0x9;
	vm10 =	veq.s32 v8, v5  }
0x9d: {  	v7 =	vand.u32 $0x7FF, v7;
	_ =	sdelay $0x4  }
0x9e: {  	[tilespmem:v7+s11+$0x0] =	vst.idx.add.s32.msk vm10, v2  }
0x9f: {  	v7 =	vld [tilespmem:s19+$0xFFFFFFF0];
	_ =	sdelay $0x4  }
0xa0: {  	v8 =	vshra.s32 v7, $0x14  }
0xa1: {  	v7 =	vshrl.u32 v7, $0x9;
	vm11 =	veq.s32 v8, v5  }
0xa2: {  	v7 =	vand.u32 $0x7FF, v7;
	_ =	sdelay $0x4  }
0xa3: {  	[tilespmem:v7+s11+$0x0] =	vst.idx.add.s32.msk vm11, v2  }
0xa4: {  	v7 =	vld [tilespmem:s19+$0x0];
	_ =	sdelay $0x4  }
0xa5: {  	v8 =	vshra.s32 v7, $0x14  }
0xa6: {  	v7 =	vshrl.u32 v7, $0x9;
	vm12 =	veq.s32 v8, v5  }
0xa7: {  	v7 =	vand.u32 $0x7FF, v7;
	_ =	sdelay $0x4  }
0xa8: {  	[tilespmem:v7+s11+$0x0] =	vst.idx.add.s32.msk vm12, v2  }
0xa9: {  	v7 =	vld [tilespmem:s19+$0x10];
	_ =	sdelay $0x4  }
0xaa: {  	v8 =	vshra.s32 v7, $0x14  }
0xab: {  	v7 =	vshrl.u32 v7, $0x9;
	vm13 =	veq.s32 v8, v5  }
0xac: {  	v7 =	vand.u32 $0x7FF, v7;
	_ =	sdelay $0x4  }
0xad: {  	[tilespmem:v7+s11+$0x0] =	vst.idx.add.s32.msk vm13, v2  }
0xae: {  	v7 =	vld [tilespmem:s19+$0x20];
	_ =	sdelay $0x4  }
0xaf: {  	v8 =	vshra.s32 v7, $0x14  }
0xb0: {  	v7 =	vshrl.u32 v7, $0x9;
	vm14 =	veq.s32 v8, v5  }
0xb1: {  	v7 =	vand.u32 $0x7FF, v7;
	_ =	sdelay $0x4  }
0xb2: {  	[tilespmem:v7+s11+$0x0] =	vst.idx.add.s32.msk vm14, v2  }
0xb3: {  	v7 =	vld [tilespmem:s19+$0x30];
	_ =	sdelay $0x4  }
0xb4: {  	v8 =	vshra.s32 v7, $0x14  }
0xb5: {  	s20 =	sadd.s32 $0x8, s20;
	v7 =	vshrl.u32 v7, $0x9;
	vm15 =	veq.s32 v8, v5  }
0xb6: {  	p0 =	slt.u32 s20, $0x9B8;
	v7 =	vand.u32 $0x7FF, v7  }
.Ltmp4:
0xb7: {  	_ = 	snop;
	(pc) =	sbr.rel @p0 .LBB2_10-.Ltmp4, $2  }
0xb8: {  	_ =	sdelay $0x2  }
0xb9: {  	s19 =	sadd.s32 $0x80, s19;
	[tilespmem:v7+s11+$0x0] =	vst.idx.add.s32.msk vm15, v2  }
0xba: {  	v7 =	vld [tilespmem:$0x9C00];
	_ =	sdelay $0x4  }
0xbb: {  	v8 =	vshra.s32 v7, $0x14  }
0xbc: {  	v7 =	vshrl.u32 v7, $0x9;
	vm0 =	veq.s32 v8, v5  }
0xbd: {  	v7 =	vand.u32 $0x7FF, v7;
	_ =	sdelay $0x4  }
0xbe: {  	[tilespmem:v7+s11+$0x0] =	vst.idx.add.s32.msk vm0, v2  }
0xbf: {  	v7 =	vld [tilespmem:$0x9C10];
	_ =	sdelay $0x4  }
0xc0: {  	v8 =	vshra.s32 v7, $0x14  }
0xc1: {  	v7 =	vshrl.u32 v7, $0x9;
	vm13 =	veq.s32 v8, v5  }
0xc2: {  	v7 =	vand.u32 $0x7FF, v7;
	_ =	sdelay $0x4  }
0xc3: {  	[tilespmem:v7+s11+$0x0] =	vst.idx.add.s32.msk vm13, v2  }
0xc4: {  	v7 =	vld [tilespmem:$0x9C20];
	_ =	sdelay $0x4  }
0xc5: {  	v8 =	vshra.s32 v7, $0x14  }
0xc6: {  	v7 =	vshrl.u32 v7, $0x9;
	vm14 =	veq.s32 v8, v5  }
0xc7: {  	v7 =	vand.u32 $0x7FF, v7;
	_ =	sdelay $0x4  }
0xc8: {  	[tilespmem:v7+s11+$0x0] =	vst.idx.add.s32.msk vm14, v2  }
0xc9: {  	v7 =	vld [tilespmem:$0x9C30];
	_ =	sdelay $0x4  }
0xca: {  	v8 =	vshra.s32 v7, $0x14  }
0xcb: {  	v7 =	vshrl.u32 v7, $0x9;
	vm15 =	veq.s32 v8, v5  }
0xcc: {  	v7 =	vand.u32 $0x7FF, v7;
	_ =	sdelay $0x4  }
0xcd: {  	[tilespmem:v7+s11+$0x0] =	vst.idx.add.s32.msk vm15, v2  }
0xce: {  	[hbm4b:s4+s12] =	stream.strided.scatter [tilespmem:s11], [sflag:$0x1], $0x800, s13, s12, $0x38;
	[tilespmem:$0xC580] =	vst v63  }
0xcf: {  	_ =	swait.ge [sflag:s10], $0x800  }
0xd0: {  	[sflag:s10] =	ssyncset.done $0x0  }
0xd1: {  	[sflag:s10] =	ssyncadd.s32 $0xFFFFF800  }
0xd2: {  	[bflag:$0x0] =	sbarrier.arrive $0xFFFF  }
0xd3: {  	[tilespmem:s15], [sflag:$0x1] =	stream.strided.gather [hbm4b:s5+s14], $0x2000, s13, s14, $0x38;
	[tilespmem:$0xC580] =	vst v63  }
0xd4: {  	_ =	swait.ge [sflag:s10], $0x2000  }
0xd5: {  	s22 =	simm.s32 $0x7F0;
	s19 =	simm.s32 $0x1FC0;
	[sflag:s10] =	ssyncset.done $0x0  }
0xd6: {  	s20 =	sand.u32 $0x70, s22;
	s19 =	sand.u32 $0x1E00, s19;
	[sflag:s10] =	ssyncadd.s32 $0xFFFFE000  }
0xd7: {  	s19 =	sor.u32 s20, s19;
	[bflag:$0x0] =	sbarrier.arrive $0xFFFF  }
0xd8: {  	v7 =	vld [tilespmem:s19+$0xA480]  }
0xd9: {  	v8 =	vld [tilespmem:s19+$0xA500]  }
0xda: {  	v9 =	vld [tilespmem:s19+$0xA580]  }
0xdb: {  	v10 =	vld [tilespmem:s19+$0xA600]  }
0xdc: {  	s28 =	simm.s32 $0x1F80;
	s20 =	simm.s32 $0x7E0  }
0xdd: {  	s21 =	sand.u32 $0x70, s20;
	s19 =	sand.u32 $0x1E00, s28  }
0xde: {  	s21 =	sor.u32 s21, s19;
	v7 =	vadd.s32 v7, v8  }
0xdf: {  	v8 =	vld [tilespmem:s21+$0xA480];
	v7 =	vadd.s32 v9, v7  }
0xe0: {  	v9 =	vld [tilespmem:s21+$0xA500];
	v13 =	vadd.s32 v10, v7  }
0xe1: {  	s23 =	simm.s32 $0x1F40;
	s19 =	simm.s32 $0x7D0;
	v7 =	vld [tilespmem:s21+$0xA580];
	v10 =	vperm.xlane v13, v3  }
0xe2: {  	s23 =	sand.u32 $0x1E00, s23;
	s24 =	sand.u32 $0x70, s19;
	v11 =	vld [tilespmem:s21+$0xA600]  }
0xe3: {  	s29 =	sor.u32 s24, s23;
	(xrf0) =	vadd.scan.msk.s32 $0xffff, v10  }
0xe4: {  	v12 =	vld [tilespmem:s29+$0xA500]  }
0xe5: {  	v10 =	vld [tilespmem:s29+$0xA480];
	v8 =	vadd.s32 v8, v9  }
0xe6: {  	v14 =	vld [tilespmem:s29+$0xA580];
	v7 =	vadd.s32 v7, v8  }
0xe7: {  	s30 =	simm.s32 $0x1F00;
	v16 =	vld [tilespmem:s29+$0xA600];
	s21 =	simm.s32 $0x7C0;
	v9 =	vadd.s32 v11, v7  }
0xe8: {  	s23 =	sand.u32 $0x1E00, s30;
	s31 =	sand.u32 $0x70, s21;
	v17 =	vperm.xlane v9, v3  }
0xe9: {  	s24 =	sor.u32 s31, s23;
	v8, _, _ =	vpop (xrf0)  }
0xea: {  	v15 =	vadd.s32 v10, v12;
	v12 =	vld [tilespmem:s24+$0xA480];
	(xrf0) =	vadd.scan.msk.s32 $0xffff, v17;
	v10 =	vperm.xlane v8, v3  }
0xeb: {  	v6 =	vsub.s32 $0x9C40, v6;
	v7 =	vimm.s32 $0x0;
	v8 =	vadd.s32 v14, v15;
	v15 =	vld [tilespmem:s24+$0xA500]  }
0xec: {  	v14 =	vld [tilespmem:s24+$0xA580];
	v11 =	vadd.s32 v16, v8;
	v8 =	vimm.s32 $0x0;
	v18 =	vadd.s32 v7, v10  }
0xed: {  	s23 =	simm.s32 $0x7B0;
	v16 =	vld [tilespmem:s24+$0xA600];
	s24 =	simm.s32 $0x1EC0;
	v19 =	vperm.xlane v11, v3;
	v17 =	vsub.s32 v18, v13;
	v13 =	vimm.s32 $0x0  }
.LBB2_12:
0xee: {  	s25 =	sand.u32 $0x70, s23  }
0xef: {  	s26 =	sand.u32 $0x1E00, s24;
	vm0 =	vlt.s32 v17, v6;
	vm1 =	vge.s32 v18, v6;
	v20 =	vmov v11;
	s28 =	smov.u32 s23;
	p0 =	sne.s32 s23, $0x0  }
.Ltmp5:
0xf0: {  	s23 =	sadd.s32 $0xFFFFFFF0, s23;
	v18 =	vperm.xlane v10, v1;
	s25 =	sor.u32 s25, s26;
	(xrf0) =	vadd.scan.msk.s32 $0xffff, v19;
	v11, _, _ =	vpop (xrf0);
	vm0 =	vmand vm1, vm0;
	v19 =	vor.u32 s22, v0;
	(pc) =	sbr.rel @p0 .LBB2_12-.Ltmp5, $4  }
0xf1: {  	s22 =	smov.u32 s20;
	s20 =	smov.u32 s19;
	s19 =	smov.u32 s21;
	v21 =	vadd.s32 v12, v15;
	v12 =	vld [tilespmem:s25+$0xA480];
	v10 =	vperm.xlane v11, v3;
	v11 =	vnsel vm0, $0x0, v17  }
0xf2: {  	s21 =	smov.u32 s28;
	v13 =	vadd.s32 v13, v18;
	v15 =	vld [tilespmem:s25+$0xA500];
	v17 =	vadd.s32 v14, v21;
	v7 =	vadd.s32 v7, v11  }
0xf3: {  	v21 =	vnsel vm0, $0x0, v19;
	v14 =	vld [tilespmem:s25+$0xA580];
	v11 =	vadd.s32 v16, v17;
	v18 =	vadd.s32 v13, v10  }
0xf4: {  	s24 =	sadd.s32 $0xFFFFFFC0, s24;
	v8 =	vadd.s32 v8, v21;
	v16 =	vld [tilespmem:s25+$0xA600];
	v19 =	vperm.xlane v11, v3;
	v17 =	vsub.s32 v18, v9;
	v9 =	vmovc v20  }
0xf5: {  	_ =	sdelay $0x1  }
0xf6: {  	v12 =	vadd.s32 v12, v15  }
0xf7: {  	v12 =	vadd.s32 v14, v12  }
0xf8: {  	(xrf0) =	vadd.scan.msk.s32 $0xffff, v19;
	v12 =	vadd.s32 v16, v12  }
0xf9: {  	v53 =	vperm.xlane v12, v3  }
0xfa: {  	v10 =	vperm.xlane v10, v1;
	v54, _, _ =	vpop (xrf0)  }
0xfb: {  	vm0 =	vlt.s32 v17, v6;
	vm1 =	vge.s32 v18, v6;
	v14 =	vperm.xlane v54, v3;
	(xrf0) =	vadd.scan.msk.s32 $0xffff, v53  }
0xfc: {  	v55 =	vor.u32 s22, v0;
	vm0 =	vmand vm1, vm0;
	v10 =	vadd.s32 v13, v10  }
0xfd: {  	v62 =	vor.u32 s20, v0;
	v57 =	vnsel vm0, $0x0, v17;
	v58 =	vadd.s32 v10, v14  }
0xfe: {  	v15 =	vnsel vm0, $0x0, v55;
	v14 =	vperm.xlane v14, v1;
	v9 =	vsub.s32 v58, v9;
	v56, _, _ =	vpop (xrf0)  }
0xff: {  	vm12 =	vge.s32 v58, v6;
	vm11 =	vlt.s32 v9, v6;
	v13 =	vperm.xlane v56, v3  }
0x100: {  	v7 =	vadd.s32 v7, v57;
	v8 =	vadd.s32 v8, v15;
	vm0 =	vmand vm12, vm11  }
0x101: {  	v10 =	vadd.s32 v10, v14;
	v9 =	vnsel vm0, $0x0, v9;
	v60 =	vperm.xlane v13, v1;
	v59, _, _ =	vpop (xrf0)  }
0x102: {  	v63 =	vnsel vm0, $0x0, v62;
	v13 =	vadd.s32 v10, v13;
	v61 =	vperm.xlane v59, v3  }
0x103: {  	v7 =	vadd.s32 v7, v9;
	v9 =	vor.u32 s19, v0;
	v10 =	vadd.s32 v10, v60  }
0x104: {  	v8 =	vadd.s32 v8, v63;
	v11 =	vsub.s32 v13, v11;
	v10 =	vadd.s32 v10, v61  }
0x105: {  	vm14 =	vge.s32 v13, v6;
	vm13 =	vlt.s32 v11, v6;
	v12 =	vsub.s32 v10, v12  }
0x106: {  	vm0 =	vmand vm14, vm13;
	vm3 =	vge.s32 v10, v6;
	vm2 =	vlt.s32 v12, v6  }
0x107: {  	v9 =	vnsel vm0, $0x0, v9;
	v10 =	vor.u32 s21, v0;
	vm15 =	vmand vm3, vm2  }
0x108: {  	v11 =	vnsel vm0, $0x0, v11;
	v8 =	vadd.s32 v8, v9;
	v9 =	vnsel vm15, $0x0, v10  }
0x109: {  	v7 =	vadd.s32 v7, v11;
	v10 =	vnsel vm15, $0x0, v12;
	v8 =	vadd.s32 v8, v9  }
0x10a: {  	v7 =	vadd.s32 v7, v10;
	(xrf0) =	vadd.scan.msk.s32 $0xffff, v8  }
0x10b: {  	(xrf0) =	vadd.scan.msk.s32 $0xffff, v7;
	_ =	sdelay $0x3  }
0x10c: {  	s19 =	simm.s32 $0x9CA0  }
0x10d: {  	[tilespmem:s19+$0xFFFFFFE0] =	vst v1;
	v7, _, _ =	vpop (xrf0)  }
0x10e: {  	[tilespmem:s19+$0x10] =	vst v1;
	v8, _, _ =	vpop (xrf0)  }
0x10f: {  	s20 =	simm.s32 $0x0;
	[tilespmem:s19+$0x0] =	vst v1;
	v7 =	vperm.xlane v7, v4;
	v8 =	vperm.xlane v8, v4  }
.LBB2_14:
0x110: {  	s20 =	sadd.s32 $0x4, s20  }
0x111: {  	[tilespmem:s19+$0xFFFFFFF0] =	vst v1;
	s19 =	sadd.s32 $0x40, s19;
	p0 =	slt.u32 s20, $0x7C  }
.Ltmp6:
0x112: {  	[tilespmem:s19+$0xFFFFFFE0] =	vst v1;
	(pc) =	sbr.rel @p0 .LBB2_14-.Ltmp6, $3  }
0x113: {  	_ =	sdelay $0x1  }
0x114: {  	[tilespmem:s19+$0x10] =	vst v1  }
0x115: {  	[tilespmem:s19+$0x0] =	vst v1  }
0x116: {  	v9 =	vshll.u32 v5, $0xB  }
0x117: {  	[tilespmem:s19+$0xFFFFFFF0] =	vst v1;
	s19 =	simm.s32 $0xFFFFFFF8;
	s20 =	simm.s32 $0x40;
	v9 =	vadd.s32 v9, v7  }
.LBB2_16:
0x118: {  	v10 =	vld [tilespmem:s20+$0xFFFFFFC0];
	_ =	sdelay $0x4  }
0x119: {  	v11 =	vshra.s32 v10, $0x9  }
0x11a: {  	vm0 =	veq.s32 v11, v9  }
0x11b: {  	v10 =	vand.u32 $0x1FF, v10;
	_ =	sdelay $0x4  }
0x11c: {  	[tilespmem:v10+s11+$0x0] =	vst.idx.add.s32.msk vm0, v2  }
0x11d: {  	v10 =	vld [tilespmem:s20+$0xFFFFFFD0];
	_ =	sdelay $0x4  }
0x11e: {  	v11 =	vshra.s32 v10, $0x9  }
0x11f: {  	vm9 =	veq.s32 v11, v9  }
0x120: {  	v10 =	vand.u32 $0x1FF, v10;
	_ =	sdelay $0x4  }
0x121: {  	[tilespmem:v10+s11+$0x0] =	vst.idx.add.s32.msk vm9, v2  }
0x122: {  	v10 =	vld [tilespmem:s20+$0xFFFFFFE0];
	_ =	sdelay $0x4  }
0x123: {  	v11 =	vshra.s32 v10, $0x9  }
0x124: {  	vm10 =	veq.s32 v11, v9  }
0x125: {  	v10 =	vand.u32 $0x1FF, v10;
	_ =	sdelay $0x4  }
0x126: {  	[tilespmem:v10+s11+$0x0] =	vst.idx.add.s32.msk vm10, v2  }
0x127: {  	v10 =	vld [tilespmem:s20+$0xFFFFFFF0];
	_ =	sdelay $0x4  }
0x128: {  	v11 =	vshra.s32 v10, $0x9  }
0x129: {  	vm11 =	veq.s32 v11, v9  }
0x12a: {  	v10 =	vand.u32 $0x1FF, v10;
	_ =	sdelay $0x4  }
0x12b: {  	[tilespmem:v10+s11+$0x0] =	vst.idx.add.s32.msk vm11, v2  }
0x12c: {  	v10 =	vld [tilespmem:s20+$0x0];
	_ =	sdelay $0x4  }
0x12d: {  	v11 =	vshra.s32 v10, $0x9  }
0x12e: {  	vm12 =	veq.s32 v11, v9  }
0x12f: {  	v10 =	vand.u32 $0x1FF, v10;
	_ =	sdelay $0x4  }
0x130: {  	[tilespmem:v10+s11+$0x0] =	vst.idx.add.s32.msk vm12, v2  }
0x131: {  	v10 =	vld [tilespmem:s20+$0x10];
	_ =	sdelay $0x4  }
0x132: {  	v11 =	vshra.s32 v10, $0x9  }
0x133: {  	vm13 =	veq.s32 v11, v9  }
0x134: {  	v10 =	vand.u32 $0x1FF, v10;
	_ =	sdelay $0x4  }
0x135: {  	[tilespmem:v10+s11+$0x0] =	vst.idx.add.s32.msk vm13, v2  }
0x136: {  	v10 =	vld [tilespmem:s20+$0x20];
	_ =	sdelay $0x4  }
0x137: {  	v11 =	vshra.s32 v10, $0x9  }
0x138: {  	vm14 =	veq.s32 v11, v9  }
0x139: {  	v10 =	vand.u32 $0x1FF, v10;
	_ =	sdelay $0x4  }
0x13a: {  	[tilespmem:v10+s11+$0x0] =	vst.idx.add.s32.msk vm14, v2  }
0x13b: {  	v10 =	vld [tilespmem:s20+$0x30];
	_ =	sdelay $0x4  }
0x13c: {  	v11 =	vshra.s32 v10, $0x9  }
0x13d: {  	s19 =	sadd.s32 $0x8, s19;
	vm15 =	veq.s32 v11, v9  }
0x13e: {  	p0 =	slt.u32 s19, $0x9B8;
	v10 =	vand.u32 $0x1FF, v10  }
.Ltmp7:
0x13f: {  	_ = 	snop;
	(pc) =	sbr.rel @p0 .LBB2_16-.Ltmp7, $2  }
0x140: {  	_ =	sdelay $0x2  }
0x141: {  	s20 =	sadd.s32 $0x80, s20;
	[tilespmem:v10+s11+$0x0] =	vst.idx.add.s32.msk vm15, v2  }
0x142: {  	v10 =	vld [tilespmem:$0x9C00];
	_ =	sdelay $0x4  }
0x143: {  	v11 =	vshra.s32 v10, $0x9  }
0x144: {  	vm0 =	veq.s32 v11, v9  }
0x145: {  	v10 =	vand.u32 $0x1FF, v10;
	_ =	sdelay $0x4  }
0x146: {  	[tilespmem:v10+s11+$0x0] =	vst.idx.add.s32.msk vm0, v2  }
0x147: {  	v10 =	vld [tilespmem:$0x9C10];
	_ =	sdelay $0x4  }
0x148: {  	v11 =	vshra.s32 v10, $0x9  }
0x149: {  	vm13 =	veq.s32 v11, v9  }
0x14a: {  	v10 =	vand.u32 $0x1FF, v10;
	_ =	sdelay $0x4  }
0x14b: {  	[tilespmem:v10+s11+$0x0] =	vst.idx.add.s32.msk vm13, v2  }
0x14c: {  	v10 =	vld [tilespmem:$0x9C20];
	_ =	sdelay $0x4  }
0x14d: {  	v11 =	vshra.s32 v10, $0x9  }
0x14e: {  	vm14 =	veq.s32 v11, v9  }
0x14f: {  	v10 =	vand.u32 $0x1FF, v10;
	_ =	sdelay $0x4  }
0x150: {  	[tilespmem:v10+s11+$0x0] =	vst.idx.add.s32.msk vm14, v2  }
0x151: {  	v10 =	vld [tilespmem:$0x9C30];
	_ =	sdelay $0x4  }
0x152: {  	v11 =	vshra.s32 v10, $0x9  }
0x153: {  	vm15 =	veq.s32 v11, v9  }
0x154: {  	v9 =	vand.u32 $0x1FF, v10;
	_ =	sdelay $0x4  }
0x155: {  	[tilespmem:v9+s11+$0x0] =	vst.idx.add.s32.msk vm15, v2  }
0x156: {  	[hbm4b:s4+s12] =	stream.strided.scatter [tilespmem:s11], [sflag:$0x1], $0x800, s13, s12, $0x38;
	[tilespmem:$0xC580] =	vst v63  }
0x157: {  	_ =	swait.ge [sflag:s10], $0x800  }
0x158: {  	[sflag:s10] =	ssyncset.done $0x0  }
0x159: {  	[sflag:s10] =	ssyncadd.s32 $0xFFFFF800  }
0x15a: {  	[bflag:$0x0] =	sbarrier.arrive $0xFFFF  }
0x15b: {  	[tilespmem:s15], [sflag:$0x1] =	stream.strided.gather [hbm4b:s5+s14], $0x2000, s13, s14, $0x38;
	[tilespmem:$0xC580] =	vst v63  }
0x15c: {  	_ =	swait.ge [sflag:s10], $0x2000  }
0x15d: {  	s21 =	simm.s32 $0x1F0;
	s19 =	simm.s32 $0x7C0;
	[sflag:s10] =	ssyncset.done $0x0  }
0x15e: {  	s20 =	sand.u32 $0x70, s21;
	s19 =	sand.u32 $0x600, s19;
	[sflag:s10] =	ssyncadd.s32 $0xFFFFE000  }
0x15f: {  	s19 =	sor.u32 s20, s19;
	[bflag:$0x0] =	sbarrier.arrive $0xFFFF  }
0x160: {  	v9 =	vld [tilespmem:s19+$0xA480]  }
0x161: {  	v10 =	vld [tilespmem:s19+$0xA500]  }
0x162: {  	v11 =	vld [tilespmem:s19+$0xA580]  }
0x163: {  	v12 =	vld [tilespmem:s19+$0xA600]  }
0x164: {  	s28 =	simm.s32 $0x780;
	s19 =	simm.s32 $0x1E0  }
0x165: {  	s20 =	sand.u32 $0x600, s28;
	s22 =	sand.u32 $0x70, s19  }
0x166: {  	s22 =	sor.u32 s22, s20;
	v9 =	vadd.s32 v9, v10  }
0x167: {  	v10 =	vld [tilespmem:s22+$0xA480];
	v9 =	vadd.s32 v11, v9  }
0x168: {  	v11 =	vld [tilespmem:s22+$0xA500];
	v14 =	vadd.s32 v12, v9  }
0x169: {  	s23 =	simm.s32 $0x740;
	s20 =	simm.s32 $0x1D0;
	v9 =	vld [tilespmem:s22+$0xA580];
	v12 =	vperm.xlane v14, v3  }
0x16a: {  	s23 =	sand.u32 $0x600, s23;
	s24 =	sand.u32 $0x70, s20;
	v13 =	vld [tilespmem:s22+$0xA600]  }
0x16b: {  	s29 =	sor.u32 s24, s23;
	(xrf0) =	vadd.scan.msk.s32 $0xffff, v12  }
0x16c: {  	v15 =	vld [tilespmem:s29+$0xA500]  }
0x16d: {  	v12 =	vld [tilespmem:s29+$0xA480];
	v10 =	vadd.s32 v10, v11  }
0x16e: {  	v16 =	vld [tilespmem:s29+$0xA580];
	v9 =	vadd.s32 v9, v10  }
0x16f: {  	s30 =	simm.s32 $0x700;
	v18 =	vld [tilespmem:s29+$0xA600];
	s22 =	simm.s32 $0x1C0;
	v10 =	vadd.s32 v13, v9  }
0x170: {  	s23 =	sand.u32 $0x600, s30;
	s31 =	sand.u32 $0x70, s22;
	v21 =	vperm.xlane v10, v3  }
0x171: {  	s24 =	sor.u32 s31, s23;
	v11, _, _ =	vpop (xrf0)  }
0x172: {  	v17 =	vld [tilespmem:s24+$0xA500];
	v15 =	vadd.s32 v12, v15;
	(xrf0) =	vadd.scan.msk.s32 $0xffff, v21;
	v12 =	vperm.xlane v11, v3  }
0x173: {  	v6 =	vsub.s32 v6, v8;
	v13 =	vld [tilespmem:s24+$0xA480];
	v9 =	vimm.s32 $0x0;
	v11 =	vadd.s32 v16, v15  }
0x174: {  	v8 =	vimm.s32 $0x0;
	v16 =	vld [tilespmem:s24+$0xA580];
	v15 =	vadd.s32 v18, v11;
	v19 =	vadd.s32 v9, v12  }
0x175: {  	s23 =	simm.s32 $0x1B0;
	v18 =	vld [tilespmem:s24+$0xA600];
	s24 =	simm.s32 $0x6C0;
	v20 =	vperm.xlane v15, v3;
	v11 =	vsub.s32 v19, v14;
	v14 =	vimm.s32 $0x0  }
.LBB2_18:
0x176: {  	s25 =	sand.u32 $0x70, s23  }
0x177: {  	s26 =	sand.u32 $0x600, s24;
	vm0 =	vlt.s32 v11, v6;
	vm1 =	vge.s32 v19, v6;
	v21 =	vmov v15;
	s28 =	smov.u32 s23;
	p0 =	sne.s32 s23, $0x0  }
.Ltmp8:
0x178: {  	s23 =	sadd.s32 $0xFFFFFFF0, s23;
	v19 =	vperm.xlane v12, v1;
	s25 =	sor.u32 s25, s26;
	(xrf0) =	vadd.scan.msk.s32 $0xffff, v20;
	v15, _, _ =	vpop (xrf0);
	vm0 =	vmand vm1, vm0;
	v20 =	vor.u32 s21, v0;
	(pc) =	sbr.rel @p0 .LBB2_18-.Ltmp8, $4  }
0x179: {  	s21 =	smov.u32 s19;
	s19 =	smov.u32 s20;
	s20 =	smov.u32 s22;
	v22 =	vadd.s32 v13, v17;
	v13 =	vld [tilespmem:s25+$0xA480];
	v12 =	vperm.xlane v15, v3;
	v11 =	vnsel vm0, $0x0, v11  }
0x17a: {  	s22 =	smov.u32 s28;
	v14 =	vadd.s32 v14, v19;
	v17 =	vld [tilespmem:s25+$0xA500];
	v15 =	vadd.s32 v16, v22;
	v9 =	vadd.s32 v9, v11  }
0x17b: {  	v22 =	vnsel vm0, $0x0, v20;
	v16 =	vld [tilespmem:s25+$0xA580];
	v15 =	vadd.s32 v18, v15;
	v19 =	vadd.s32 v14, v12  }
0x17c: {  	s24 =	sadd.s32 $0xFFFFFFC0, s24;
	v8 =	vadd.s32 v8, v22;
	v18 =	vld [tilespmem:s25+$0xA600];
	v20 =	vperm.xlane v15, v3;
	v11 =	vsub.s32 v19, v10;
	v10 =	vmovc v21  }
0x17d: {  	_ =	sdelay $0x1  }
0x17e: {  	v13 =	vadd.s32 v13, v17  }
0x17f: {  	v13 =	vadd.s32 v16, v13  }
0x180: {  	(xrf0) =	vadd.scan.msk.s32 $0xffff, v20;
	v13 =	vadd.s32 v18, v13  }
0x181: {  	v45 =	vperm.xlane v13, v3;
	_ =	sdelay $0x1  }
0x182: {  	(xrf0) =	vadd.scan.msk.s32 $0xffff, v45  }
0x183: {  	v12 =	vperm.xlane v12, v1;
	vm0 =	vlt.s32 v11, v6;
	vm1 =	vge.s32 v19, v6  }
0x184: {  	v50 =	vor.u32 s21, v0;
	v55 =	vor.u32 s19, v0;
	v57 =	vor.u32 s20, v0;
	v46, _, _ =	vpop (xrf0)  }
0x185: {  	v59 =	vor.u32 s22, v0;
	vm0 =	vmand vm1, vm0;
	v16 =	vperm.xlane v46, v3;
	v47, _, _ =	vpop (xrf0)  }
0x186: {  	v12 =	vadd.s32 v14, v12;
	v54 =	vnsel vm0, $0x0, v50;
	v48 =	vperm.xlane v47, v3  }
0x187: {  	v8 =	vadd.s32 v8, v54;
	v49 =	vadd.s32 v12, v16;
	v16 =	vperm.xlane v16, v1  }
0x188: {  	v10 =	vsub.s32 v49, v10;
	vm2 =	vge.s32 v49, v6;
	v52 =	vperm.xlane v48, v1;
	v51, _, _ =	vpop (xrf0)  }
0x189: {  	v12 =	vadd.s32 v12, v16;
	vm1 =	vlt.s32 v10, v6;
	v53 =	vperm.xlane v51, v3  }
0x18a: {  	vm1 =	vmand vm2, vm1;
	v14 =	vadd.s32 v12, v48;
	v12 =	vadd.s32 v12, v52  }
0x18b: {  	v56 =	vnsel vm1, $0x0, v55;
	v15 =	vsub.s32 v14, v15;
	v12 =	vadd.s32 v12, v53  }
0x18c: {  	vm3 =	vge.s32 v14, v6;
	vm2 =	vlt.s32 v15, v6;
	v13 =	vsub.s32 v12, v13  }
0x18d: {  	vm2 =	vmand vm3, vm2;
	vm4 =	vge.s32 v12, v6;
	vm3 =	vlt.s32 v13, v6  }
0x18e: {  	v8 =	vadd.s32 v8, v56;
	v58 =	vnsel vm2, $0x0, v57;
	vm3 =	vmand vm4, vm3  }
0x18f: {  	v8 =	vadd.s32 v8, v58;
	v60 =	vnsel vm3, $0x0, v59  }
0x190: {  	v8 =	vadd.s32 v8, v60  }
0x191: {  	(xrf0) =	vadd.scan.msk.s32 $0xffff, v8;
	_ =	sdelay $0x3  }
0x192: {  	s31 =	simm.s32 $0x40  }
0x193: {  	v8 =	vld [tilespmem:s31+$0xFFFFFFC0]  }
0x194: {  	v5 =	vshll.u32 v5, $0x14;
	v61, _, _ =	vpop (xrf0)  }
0x195: {  	v7 =	vshll.u32 v7, $0x9;
	v62 =	vld [tilespmem:s31+$0xFFFFFFD0];
	v11 =	vnsel vm0, $0x0, v11;
	v12 =	vperm.xlane v61, v4  }
0x196: {  	v5 =	vadd.s32 v5, v7;
	v9 =	vadd.s32 v9, v11;
	v10 =	vnsel vm1, $0x0, v10  }
0x197: {  	v7 =	vadd.s32 v9, v10;
	v10 =	vld [tilespmem:s31+$0xFFFFFFE0];
	v5 =	vadd.s32 v12, v5  }
0x198: {  	v11 =	vimm.f32 $0.0e+00;
	v9 =	vnsel vm2, $0x0, v15;
	vm0 =	vgt.s32 v8, v5  }
0x199: {  	v63 =	vld [tilespmem:s31+$0xFFFFFFF0];
	v7 =	vadd.s32 v7, v9;
	v9 =	vnsel vm3, $0x0, v13;
	v8 =	vnsel vm0, $0x0, v8  }
0x19a: {  	v7 =	vadd.s32 v7, v9;
	vm0 =	vgt.s32 v62, v5;
	v8 =	vadd.f32 v8, v11  }
0x19b: {  	(xrf0) =	vadd.scan.msk.s32 $0xffff, v7;
	v7 =	vnsel vm0, $0x0, v62  }
0x19c: {  	v11 =	vld [tilespmem:s31+$0x0];
	vm0 =	vgt.s32 v10, v5;
	v7 =	vadd.f32 v7, v8  }
0x19d: {  	v9 =	vnsel vm0, $0x0, v10  }
0x19e: {  	vm0 =	vgt.s32 v63, v5;
	v8 =	vld [tilespmem:s31+$0x10];
	v7 =	vadd.f32 v9, v7  }
0x19f: {  	v9 =	vnsel vm0, $0x0, v63  }
0x1a0: {  	v12 =	vadd.f32 v9, v7;
	v9 =	vld [tilespmem:s31+$0x20]  }
0x1a1: {  	vm0 =	vgt.s32 v11, v5  }
0x1a2: {  	v10 =	vld [tilespmem:s31+$0x30];
	v11 =	vnsel vm0, $0x0, v11;
	v7, _, _ =	vpop (xrf0)  }
0x1a3: {  	s19 =	simm.s32 $0x0;
	s20 =	simm.s32 $0xC0;
	vm0 =	vgt.s32 v8, v5;
	v11 =	vadd.f32 v11, v12;
	v7 =	vperm.xlane v7, v4  }
.LBB2_20:
0x1a4: {  	v12 =	vld [tilespmem:s20+$0xFFFFFFC0];
	s19 =	sadd.s32 $0x8, s19;
	v8 =	vnsel vm0, $0x0, v8  }
0x1a5: {  	p0 =	slt.u32 s19, $0x9B8;
	v8 =	vadd.f32 v8, v11;
	vm0 =	vgt.s32 v9, v5  }
0x1a6: {  	v11 =	vld [tilespmem:s20+$0xFFFFFFD0];
	v9 =	vnsel vm0, $0x0, v9  }
0x1a7: {  	v8 =	vadd.f32 v9, v8;
	vm0 =	vgt.s32 v10, v5  }
0x1a8: {  	v9 =	vld [tilespmem:s20+$0xFFFFFFE0];
	v10 =	vnsel vm0, $0x0, v10  }
0x1a9: {  	vm0 =	vgt.s32 v12, v5;
	v8 =	vadd.f32 v10, v8  }
0x1aa: {  	v10 =	vnsel vm0, $0x0, v12;
	v12 =	vld [tilespmem:s20+$0xFFFFFFF0]  }
0x1ab: {  	v8 =	vadd.f32 v10, v8;
	vm0 =	vgt.s32 v11, v5  }
0x1ac: {  	v10 =	vnsel vm0, $0x0, v11;
	v11 =	vld [tilespmem:s20+$0x0]  }
0x1ad: {  	v10 =	vadd.f32 v10, v8;
	vm0 =	vgt.s32 v9, v5  }
0x1ae: {  	v9 =	vnsel vm0, $0x0, v9;
	v8 =	vld [tilespmem:s20+$0x10]  }
.Ltmp9:
0x1af: {  	v10 =	vadd.f32 v9, v10;
	vm0 =	vgt.s32 v12, v5;
	(pc) =	sbr.rel @p0 .LBB2_20-.Ltmp9, $4  }
0x1b0: {  	v12 =	vnsel vm0, $0x0, v12;
	v9 =	vld [tilespmem:s20+$0x20]  }
0x1b1: {  	v12 =	vadd.f32 v12, v10;
	vm0 =	vgt.s32 v11, v5  }
0x1b2: {  	v11 =	vnsel vm0, $0x0, v11;
	v10 =	vld [tilespmem:s20+$0x30]  }
0x1b3: {  	s20 =	sadd.s32 $0x80, s20;
	v11 =	vadd.f32 v11, v12;
	vm0 =	vgt.s32 v8, v5  }
0x1b4: {  	v8 =	vnsel vm0, $0x0, v8;
	v12 =	vld [tilespmem:$0x9C00]  }
0x1b5: {  	v8 =	vadd.f32 v8, v11;
	vm10 =	vgt.s32 v9, v5  }
0x1b6: {  	v59 =	vld [tilespmem:$0x9C10];
	v9 =	vnsel vm10, $0x0, v9  }
0x1b7: {  	v8 =	vadd.f32 v9, v8;
	vm11 =	vgt.s32 v10, v5  }
0x1b8: {  	v61 =	vld [tilespmem:$0x9C20];
	v60 =	vnsel vm11, $0x0, v10  }
0x1b9: {  	[tilespmem:$0xC480] =	vst v5;
	v8 =	vadd.f32 v60, v8;
	vm12 =	vgt.s32 v12, v5  }
0x1ba: {  	v62 =	vld [tilespmem:$0x9C30];
	[hbm4b:s6+s2] =	stream.linear.scatter [tilespmem:s16], [sflag:$0x1], $0x80, $0x38;
	v12 =	vnsel vm12, $0x0, v12  }
0x1bb: {  	_ =	swait.ge [sflag:s10], $0x80;
	vm13 =	vgt.s32 v59, v5;
	v8 =	vadd.f32 v12, v8  }
0x1bc: {  	[sflag:s10] =	ssyncset.done $0x0;
	v11 =	vnsel vm13, $0x0, v59  }
0x1bd: {  	v6 =	vsub.s32 v6, v7;
	[sflag:s10] =	ssyncadd.s32 $0xFFFFFF80;
	vm14 =	vgt.s32 v61, v5;
	v7 =	vadd.f32 v11, v8  }
0x1be: {  	[tilespmem:$0xC480] =	vst v6;
	v63 =	vnsel vm14, $0x0, v61  }
0x1bf: {  	vm15 =	vgt.s32 v62, v5;
	[hbm4b:s7+s2] =	stream.linear.scatter [tilespmem:s16], [sflag:$0x1], $0x80, $0x38;
	v6 =	vadd.f32 v63, v7;
	[tilespmem:$0xC580] =	vst v63  }
0x1c0: {  	v5 =	vnsel vm15, $0x0, v62;
	_ =	swait.ge [sflag:s10], $0x80  }
0x1c1: {  	s18 =	sadd.s32 $0x1, s18;
	[sflag:s10] =	ssyncset.done $0x0;
	v5 =	vadd.f32 v5, v6  }
0x1c2: {  	p0 =	sne.s32 s18, s9;
	[sflag:s10] =	ssyncadd.s32 $0xFFFFFF80  }
.Ltmp10:
0x1c3: {  	[tilespmem:$0xC500] =	vst v5;
	(pc) =	sbr.rel @p0 .LBB2_1-.Ltmp10, $4  }
0x1c4: {  	[hbm4b:s8+s2] =	stream.linear.scatter [tilespmem:s17], [sflag:$0x1], $0x80, $0x38;
	[tilespmem:$0xC580] =	vst v63  }
0x1c5: {  	_ =	swait.ge [sflag:s10], $0x80  }
0x1c6: {  	[sflag:s10] =	ssyncset.done $0x0  }
0x1c7: {  	[sflag:s10] =	ssyncadd.s32 $0xFFFFFF80  }
0x1c8: {  	_ =	sfence.sel $0x180000  }
0x1c9: {  	[bflag:$0x0] =	sbarrier.arrive $0xFFFF  }
0x1ca: {  	p0 =	sne.s32 s1, $0x0;
	_ =	strace $0x90000047  }
0x1cb: {  	s0 =	sadd.s32 @!p0 $0x100000, s0;
	[bflag:$0x2] =	sbarrier.arrive $0xFFFF  }
0x1cc: {  	[sflag:s0] =	ssyncadd.tile.s32 @!p0 $0x1;
	_ =	shalt  }
.Lfunc_end2:
_tile_overlayer_lowered:
.L_overlay_start_2:
0x1cd: {  	(tag) =	ssettag $0x2  }
0x1ce: {  	s0 =	rddreg [dreg:$0x0];
	s2 =	stileid.u32  }
0x1cf: {  	s1 =	rddreg [dreg:$0x1];
	p0 =	sne.s32 s2, $0x0  }
0x1d0: {  	s3 =	rddreg [dreg:$0x2];
	[bflag:$0x3] =	sbarrier.arrive $0xFFFF;
	s2 =	simm.s32 @!p0 $0x1C01  }
0x1d1: {  	[timem:s3], [sflag:s2] =	dma.local @!p0 [hbm:s0], s1  }
0x1d2: {  	s0 =	simm.s32 @!p0 $0x1  }
0x1d3: {  	_ =	swait.ge @!p0 [sflag:s0], s1  }
0x1d4: {  	s1 =	ssub.s32 @!p0 $0x0, s1;
	[sflag:s0] =	ssyncset.done @!p0 $0x0  }
0x1d5: {  	[sflag:s0] =	ssyncadd.s32 @!p0 s1  }
0x1d6: {  	[bflag:$0x3] =	sbarrier.arrive $0xFFFF  }
0x1d7: {  	_ =	shalt  }

</sc_bundles>
